<compile_context>
chip_gen: v7x
topology: tpu7x:2x2x1
jax: 0.10.2.dev20260603
libtpu: 0.0.44.dev20260713+nightly
codegen_flags: <defaults>
</compile_context>

<pallas_src>
import functools

import jax
import jax.numpy as jnp
from jax import lax
from jax.experimental import pallas as pl
from jax.experimental.pallas import tpu as pltpu
from jax.experimental.pallas import tpu_sc as plsc

E = 64
TOPK = 2
D = 768
HG = 512
HC = 512
OUT = 3
CAP = 256
N = 4096

ASG = N * TOPK
DUMP = E * CAP
EPB = 4
EB = E // EPB + 1
XG_ROWS = EB * EPB * CAP

BG = 512
NW = 32
APW = ASG // NW
TPW = N // NW
DCH = 64
DCHN = APW // DCH
CCH = 64
CCHN = APW // CCH



def _gating_body(x_ref, wg1_ref, bg1_ref, gs_ref, gb_ref, wg2_ref, bg2_ref,
                 probs_ref, s1_ref, s2_ref, w1_ref, w2_ref, cnt_ref):
    i = pl.program_id(0)

    @pl.when(i == 0)
    def _():
        cnt_ref[...] = jnp.zeros_like(cnt_ref)

    x = x_ref[...]
    h = lax.dot_general(x, wg1_ref[...], (((1,), (0,)), ((), ()))) + bg1_ref[...]
    mu = jnp.mean(h, axis=-1, keepdims=True)
    var = jnp.mean((h - mu) * (h - mu), axis=-1, keepdims=True)
    h = (h - mu) / jnp.sqrt(var + 1e-5) * gs_ref[...] + gb_ref[...]
    h = jax.nn.gelu(h)
    logits = lax.dot_general(h, wg2_ref[...], (((1,), (0,)), ((), ()))) + bg2_ref[...]
    m = jnp.max(logits, axis=-1, keepdims=True)
    ex = jnp.exp(logits - m)
    probs = ex / jnp.sum(ex, axis=-1, keepdims=True)
    probs_ref[...] = probs

    eidx = lax.broadcasted_iota(jnp.int32, probs.shape, 1)
    m1 = jnp.max(probs, axis=-1, keepdims=True)
    i1 = jnp.min(jnp.where(probs == m1, eidx, E), axis=-1, keepdims=True)
    pm = jnp.where(eidx == i1, -jnp.inf, probs)
    m2 = jnp.max(pm, axis=-1, keepdims=True)
    i2 = jnp.min(jnp.where(pm == m2, eidx, E), axis=-1, keepdims=True)

    oh1 = (eidx == i1).astype(jnp.float32)
    oh2 = (eidx == i2).astype(jnp.float32)
    c = oh1 + oh2
    r = lax.broadcasted_iota(jnp.int32, (BG, BG), 0)
    col = lax.broadcasted_iota(jnp.int32, (BG, BG), 1)
    tril = (col < r).astype(jnp.float32)
    excl = lax.dot_general(tril, c, (((1,), (0,)), ((), ())))
    carry = cnt_ref[...]
    base = excl + carry
    pos1 = jnp.sum(base * oh1, axis=-1)
    pos2 = jnp.sum(base * oh2, axis=-1)
    cnt_ref[...] = carry + jnp.sum(c, axis=0, keepdims=True)

    i1f = i1[:, 0]
    i2f = i2[:, 0]
    p1 = m1[:, 0]
    p2 = m2[:, 0]
    v1 = pos1 < CAP
    v2 = pos2 < CAP
    pos1i = pos1.astype(jnp.int32)
    pos2i = pos2.astype(jnp.int32)
    s1_ref[...] = jnp.where(v1, i1f * CAP + pos1i, DUMP)
    s2_ref[...] = jnp.where(v2, i2f * CAP + pos2i, DUMP)
    w1_ref[...] = jnp.where(v1, p1, 0.0)
    w2_ref[...] = jnp.where(v2, p2, 0.0)


def _gating(x, Wg1, bg1, g_scale, g_bias, Wg2, bg2):
    nb = N // BG
    return pl.pallas_call(
        _gating_body,
        grid=(nb,),
        in_specs=[
            pl.BlockSpec((BG, D), lambda i: (i, 0)),
            pl.BlockSpec((D, HG), lambda i: (0, 0)),
            pl.BlockSpec((1, HG), lambda i: (0, 0)),
            pl.BlockSpec((1, HG), lambda i: (0, 0)),
            pl.BlockSpec((1, HG), lambda i: (0, 0)),
            pl.BlockSpec((HG, E), lambda i: (0, 0)),
            pl.BlockSpec((1, E), lambda i: (0, 0)),
        ],
        out_specs=[
            pl.BlockSpec((BG, E), lambda i: (i, 0)),
            pl.BlockSpec((BG,), lambda i: (i,)),
            pl.BlockSpec((BG,), lambda i: (i,)),
            pl.BlockSpec((BG,), lambda i: (i,)),
            pl.BlockSpec((BG,), lambda i: (i,)),
        ],
        out_shape=[
            jax.ShapeDtypeStruct((N, E), jnp.float32),
            jax.ShapeDtypeStruct((N,), jnp.int32),
            jax.ShapeDtypeStruct((N,), jnp.int32),
            jax.ShapeDtypeStruct((N,), jnp.float32),
            jax.ShapeDtypeStruct((N,), jnp.float32),
        ],
        scratch_shapes=[pltpu.VMEM((1, E), jnp.float32)],
    )(x, Wg1, bg1.reshape(1, HG), g_scale.reshape(1, HG),
      g_bias.reshape(1, HG), Wg2, bg2.reshape(1, E))



TC2 = TPW // 2


def _dispatch_body(nc, x_hbm, s1_hbm, s2_hbm, xg_hbm,
                   rows_a, rows_b, i1_v, i2_v,
                   sem_r0, sem_r1, sem_a0, sem_a1, sem_b0, sem_b1):
    wid = lax.axis_index("s") * nc + lax.axis_index("c")
    tbase = pl.multiple_of(wid * TPW, TPW)
    pltpu.sync_copy(s1_hbm.at[pl.ds(tbase, TPW)], i1_v)
    pltpu.sync_copy(s2_hbm.at[pl.ds(tbase, TPW)], i2_v)

    rows = (rows_a, rows_b)
    sem_r = (sem_r0, sem_r1)
    sem_a = (sem_a0, sem_a1)
    sem_b = (sem_b0, sem_b1)

    def read(j):
        return pltpu.async_copy(
            x_hbm.at[pl.ds(tbase + j * TC2, TC2)], rows[j], sem_r[j])

    cps = []
    cpr = [read(0), None]
    for j in range(2):
        if j + 1 < 2:
            cpr[j + 1] = read(j + 1)
        cpr[j].wait()
        cps.append(pltpu.async_copy(
            rows[j], xg_hbm.at[i1_v.at[pl.ds(j * TC2, TC2)]], sem_a[j]))
        cps.append(pltpu.async_copy(
            rows[j], xg_hbm.at[i2_v.at[pl.ds(j * TC2, TC2)]], sem_b[j]))
    for cp in cps:
        cp.wait()


def _dispatch(x, s1, s2):
    mesh = plsc.VectorSubcoreMesh(core_axis_name="c", subcore_axis_name="s")
    nc = mesh.num_cores
    return pl.kernel(
        functools.partial(_dispatch_body, nc),
        out_type=jax.ShapeDtypeStruct((XG_ROWS, D), jnp.float32),
        mesh=mesh,
        scratch_types=[
            pltpu.VMEM((TC2, D), jnp.float32),
            pltpu.VMEM((TC2, D), jnp.float32),
            pltpu.VMEM((TPW,), jnp.int32),
            pltpu.VMEM((TPW,), jnp.int32),
            pltpu.SemaphoreType.DMA,
            pltpu.SemaphoreType.DMA,
            pltpu.SemaphoreType.DMA,
            pltpu.SemaphoreType.DMA,
            pltpu.SemaphoreType.DMA,
            pltpu.SemaphoreType.DMA,
        ],
    )(x, s1, s2)



def _einsum_body(xg_ref, we_ref, be_ref, ya_ref):
    for k in range(EPB):
        ya_ref[k * CAP:(k + 1) * CAP, :] = lax.dot_general(
            xg_ref[k * CAP:(k + 1) * CAP, :], we_ref[k],
            (((1,), (0,)), ((), ()))) + be_ref[k]


def _einsum(xg, We, be):
    return pl.pallas_call(
        _einsum_body,
        grid=(EB,),
        in_specs=[
            pl.BlockSpec((EPB * CAP, D), lambda e: (e, 0)),
            pl.BlockSpec((EPB, D, D),
                         lambda e: (jnp.minimum(e, E // EPB - 1), 0, 0)),
            pl.BlockSpec((EPB, 1, D),
                         lambda e: (jnp.minimum(e, E // EPB - 1), 0, 0)),
        ],
        out_specs=pl.BlockSpec((EPB * CAP, D), lambda e: (e, 0)),
        out_shape=jax.ShapeDtypeStruct((XG_ROWS, D), jnp.float32),
    )(xg, We, be.reshape(E, 1, D))



def _combine_body(nc, ya_hbm, slot_hbm, wgt_hbm, out_hbm,
                  rows_a, rows_b, idx_v, wgt_v,
                  sem_g0, sem_g1, sem_s0, sem_s1):
    wid = lax.axis_index("s") * nc + lax.axis_index("c")
    abase = pl.multiple_of(wid * APW, APW)
    tbase = wid * TPW
    pltpu.sync_copy(slot_hbm.at[pl.ds(abase, APW)], idx_v)

    rows = (rows_a, rows_b)
    sem_g = (sem_g0, sem_g1)
    sem_s = (sem_s0, sem_s1)
    TCH = CCH // 2

    def gather(j):
        return pltpu.async_copy(
            ya_hbm.at[idx_v.at[pl.ds(j * CCH, CCH)]], rows[j % 2],
            sem_g[j % 2])

    cpg = [None] * CCHN
    cst = [None] * CCHN
    cpg[0] = gather(0)
    for j in range(CCHN):
        if j + 1 < CCHN:
            if j >= 1:
                cst[j - 1].wait()
            cpg[j + 1] = gather(j + 1)
        pltpu.sync_copy(wgt_hbm.at[pl.ds(abase + j * CCH, CCH)], wgt_v)
        cpg[j].wait()
        rv = rows[j % 2]

        def tok_loop(t, _):
            w0 = wgt_v[2 * t]
            w1 = wgt_v[2 * t + 1]

            def d_loop(d, _):
                v = (rv[2 * t, pl.ds(d * 16, 16)] * w0
                     + rv[2 * t + 1, pl.ds(d * 16, 16)] * w1)
                rv[t, pl.ds(d * 16, 16)] = v
                return 0

            lax.fori_loop(0, D // 16, d_loop, 0)
            return 0

        lax.fori_loop(0, TCH, tok_loop, 0)
        cst[j] = pltpu.async_copy(
            rv.at[pl.ds(0, TCH)],
            out_hbm.at[pl.ds(tbase + j * TCH, TCH)], sem_s[j % 2])
    cst[CCHN - 2].wait()
    cst[CCHN - 1].wait()


def _combine(ya, slot, wgt16):
    mesh = plsc.VectorSubcoreMesh(core_axis_name="c", subcore_axis_name="s")
    nc = mesh.num_cores
    return pl.kernel(
        functools.partial(_combine_body, nc),
        out_type=jax.ShapeDtypeStruct((N, D), jnp.float32),
        mesh=mesh,
        scratch_types=[
            pltpu.VMEM((CCH, D), jnp.float32),
            pltpu.VMEM((CCH, D), jnp.float32),
            pltpu.VMEM((APW,), jnp.int32),
            pltpu.VMEM((CCH, 16), jnp.float32),
            pltpu.SemaphoreType.DMA,
            pltpu.SemaphoreType.DMA,
            pltpu.SemaphoreType.DMA,
            pltpu.SemaphoreType.DMA,
        ],
    )(ya, slot, wgt16)



def _classifier_body(cm_ref, wc1_ref, bc1_ref, cs_ref, cb_ref, wc2_ref,
                     bc2_ref, out_ref):
    h = lax.dot_general(cm_ref[...], wc1_ref[...], (((1,), (0,)), ((), ()))) + bc1_ref[...]
    mu = jnp.mean(h, axis=-1, keepdims=True)
    var = jnp.mean((h - mu) * (h - mu), axis=-1, keepdims=True)
    h = (h - mu) / jnp.sqrt(var + 1e-5) * cs_ref[...] + cb_ref[...]
    h = jnp.maximum(h, 0.0)
    out_ref[...] = lax.dot_general(h, wc2_ref[...], (((1,), (0,)), ((), ()))) + bc2_ref[...]


def _classifier(cm, Wc1, bc1, c_scale, c_bias, Wc2p, bc2p):
    nb = N // BG
    return pl.pallas_call(
        _classifier_body,
        grid=(nb,),
        in_specs=[
            pl.BlockSpec((BG, D), lambda i: (i, 0)),
            pl.BlockSpec((D, HC), lambda i: (0, 0)),
            pl.BlockSpec((1, HC), lambda i: (0, 0)),
            pl.BlockSpec((1, HC), lambda i: (0, 0)),
            pl.BlockSpec((1, HC), lambda i: (0, 0)),
            pl.BlockSpec((HC, 128), lambda i: (0, 0)),
            pl.BlockSpec((1, 128), lambda i: (0, 0)),
        ],
        out_specs=pl.BlockSpec((BG, 128), lambda i: (i, 0)),
        out_shape=jax.ShapeDtypeStruct((N, 128), jnp.float32),
    )(cm, Wc1, bc1.reshape(1, HC), c_scale.reshape(1, HC),
      c_bias.reshape(1, HC), Wc2p, bc2p)



def kernel(x, Wg1, bg1, g_scale, g_bias, Wg2, bg2, We, be,
           Wc1, bc1, c_scale, c_bias, Wc2, bc2):
    probs, s1, s2, w1, w2 = _gating(x, Wg1, bg1, g_scale, g_bias, Wg2, bg2)

    slot = jnp.stack([s1, s2], axis=-1).reshape(ASG)
    wgt = jnp.stack([w1, w2], axis=-1).reshape(ASG)
    wgt16 = jnp.broadcast_to(wgt[:, None], (ASG, 16))

    xg = _dispatch(x, s1, s2)
    ya = _einsum(xg, We, be)
    combined = _combine(ya, slot, wgt16)

    Wc2p = jnp.pad(Wc2, ((0, 0), (0, 128 - OUT)))
    bc2p = jnp.pad(bc2, (0, 128 - OUT)).reshape(1, 128)
    logits = _classifier(combined, Wc1, bc1, c_scale, c_bias, Wc2p, bc2p)
    return (logits[:, :OUT], probs)

# --- scband reference (transcript-rebuilt; emitter-appended) ---
"""Pipeline reference for scband-mo-econtradiction-classifier-42829413876264 (READ-ONLY COPY).

The authoritative reference and input builder live on the scoring server;
editing this copy changes nothing except your own understanding.
"""

import jax, jax.numpy as jnp
import numpy as np

E = 64
TOPK = 2
D = 768
HG = 512
HC = 512
OUT = 3
CAP = 256
N = 4096


def layer_norm(x, scale, bias):
    mu = jnp.mean(x, axis=-1, keepdims=True)
    var = jnp.var(x, axis=-1, keepdims=True)
    return (x - mu) / jnp.sqrt(var + 1e-5) * scale + bias


def setup_inputs(seed: int = 0) -> dict:
    key = jax.random.key(seed)
    ks = jax.random.split(key, 8)
    def init(k, shape, fan):
        return jax.random.normal(k, shape, dtype=jnp.float32) * (1.0 / np.sqrt(fan))
    return {
        'x': jax.random.normal(ks[0], (N, D), dtype=jnp.float32),
        'Wg1': init(ks[1], (D, HG), D), 'bg1': jnp.zeros((HG,), jnp.float32),
        'g_scale': jnp.ones((HG,), jnp.float32), 'g_bias': jnp.zeros((HG,), jnp.float32),
        'Wg2': init(ks[2], (HG, E), HG), 'bg2': jnp.zeros((E,), jnp.float32),
        'We': init(ks[3], (E, D, D), D), 'be': jnp.zeros((E, D), jnp.float32),
        'Wc1': init(ks[4], (D, HC), D), 'bc1': jnp.zeros((HC,), jnp.float32),
        'c_scale': jnp.ones((HC,), jnp.float32), 'c_bias': jnp.zeros((HC,), jnp.float32),
        'Wc2': init(ks[5], (HC, OUT), HC), 'bc2': jnp.zeros((OUT,), jnp.float32),
    }


def reference(x, Wg1, bg1, g_scale, g_bias, Wg2, bg2, We, be, Wc1, bc1, c_scale, c_bias, Wc2, bc2):
    n = x.shape[0]
    # Sparse gating network: Linear -> LayerNorm -> GELU -> Linear -> softmax
    h = jax.nn.gelu(layer_norm(x @ Wg1 + bg1, g_scale, g_bias))
    gating_probs = jax.nn.softmax(h @ Wg2 + bg2, axis=-1)
    # Top-k expert selection per sample
    topk_p, topk_i = jax.lax.top_k(gating_probs, TOPK)
    flat_e = topk_i.reshape(-1)            # [n*k] expert id per assignment
    flat_p = topk_p.reshape(-1)            # [n*k] gating prob per assignment
    tok = jnp.repeat(jnp.arange(n), TOPK)  # [n*k] source token id
    # Position within each expert's capacity buffer (running count per expert)
    oh = jax.nn.one_hot(flat_e, E, dtype=jnp.int32)
    pos = jnp.take_along_axis(jnp.cumsum(oh, axis=0) - oh, flat_e[:, None], axis=1)[:, 0]
    valid = (pos < CAP).astype(x.dtype)
    pos_c = jnp.minimum(pos, CAP - 1)
    # Dispatch: scatter-add tokens into per-expert buffers
    xr = x[tok] * valid[:, None]
    disp = jnp.zeros((E, CAP, D), x.dtype).at[flat_e, pos_c].add(xr)
    # Expert encoders (one dense transform per expert, batched over E)
    y = jnp.einsum('ecd,edf->ecf', disp, We) + be[:, None, :]
    # Combine: gather expert outputs back, weight by gating prob, sum over top-k
    yt = y[flat_e, pos_c] * (flat_p * valid)[:, None]
    combined = jnp.zeros((n, D), x.dtype).at[tok].add(yt)
    # Classifier head: Linear -> LayerNorm -> ReLU -> Linear
    c = jax.nn.relu(layer_norm(combined @ Wc1 + bc1, c_scale, c_bias))
    classifier_logits = c @ Wc2 + bc2
    return (classifier_logits, gating_probs)

if __name__ == "__main__":
    import jax
    _d = setup_inputs()
    print(jax.jit(kernel)(*tuple(_d.values())))

</pallas_src>

<mosaic_0001>
#map = affine_map<(d0, d1) -> (0, 0)>
#map1 = affine_map<(d0, d1) -> (0)>
module attributes {stable_mosaic.version = 14 : i64} {
  func.func @_dispatch_body(%arg0: i32, %arg1: i32, %arg2: memref<4096x768xf32, #tpu.memory_space<hbm>>, %arg3: memref<4096xi32, #tpu.memory_space<hbm>>, %arg4: memref<4096xi32, #tpu.memory_space<hbm>>, %arg5: memref<17408x768xf32, #tpu.memory_space<hbm>>, %arg6: memref<64x768xf32, #tpu.memory_space<vmem>>, %arg7: memref<64x768xf32, #tpu.memory_space<vmem>>, %arg8: memref<128xi32, #tpu.memory_space<vmem>>, %arg9: memref<128xi32, #tpu.memory_space<vmem>>, %arg10: memref<!tpu.dma_semaphore, #tpu.memory_space<semaphore_mem>>, %arg11: memref<!tpu.dma_semaphore, #tpu.memory_space<semaphore_mem>>, %arg12: memref<!tpu.dma_semaphore, #tpu.memory_space<semaphore_mem>>, %arg13: memref<!tpu.dma_semaphore, #tpu.memory_space<semaphore_mem>>, %arg14: memref<!tpu.dma_semaphore, #tpu.memory_space<semaphore_mem>>, %arg15: memref<!tpu.dma_semaphore, #tpu.memory_space<semaphore_mem>>) attributes {dimension_semantics = [#tpu.dimension_semantics<core_parallel>, #tpu.dimension_semantics<subcore_parallel>], iteration_bounds = array<i64: 2, 16>, scalar_prefetch = 0 : i64, scratch_operands = 10 : i64, tpu.core_type = #tpu.core_type<sc_vector_subcore>, window_params = [{transform_indices = #map}, {transform_indices = #map1}, {transform_indices = #map1}, {transform_indices = #map}]} {
    %mul3A = arith.constant 2 : i32
    %mul3A_0 = arith.muli %arg1, %mul3A : i32
    %add3A = arith.addi %mul3A_0, %arg0 : i32
    %mul3A_1 = arith.constant 128 : i32
    %mul3A_2 = arith.muli %add3A, %mul3A_1 : i32
    %multiple_of3A = tpu.assume_multiple %mul3A_2, 128 : i32
    "tpu.region"() ({
      %run_scoped3A = tpu.sem_alloc : memref<!tpu.dma_semaphore, #tpu.memory_space<semaphore_mem>>
      %dma_start3A_61 = tpu.memref_slice %arg3[%multiple_of3A] : memref<4096xi32, #tpu.memory_space<hbm>> -> memref<128xi32, #tpu.memory_space<hbm>>
      %dma_start3A_62 = tpu.memref_slice %arg3[%multiple_of3A] : memref<4096xi32, #tpu.memory_space<hbm>> -> memref<128xi32, #tpu.memory_space<hbm>>
      tpu.enqueue_dma source(%dma_start3A_62 : memref<128xi32, #tpu.memory_space<hbm>>) target(%arg8 : memref<128xi32, #tpu.memory_space<vmem>>) target_semaphore(%run_scoped3A : memref<!tpu.dma_semaphore, #tpu.memory_space<semaphore_mem>>)
      %dma_wait3A_63 = tpu.memref_slice %arg3[%multiple_of3A] : memref<4096xi32, #tpu.memory_space<hbm>> -> memref<128xi32, #tpu.memory_space<hbm>>
      %dma_wait3A_64 = tpu.memref_slice %arg3[%multiple_of3A] : memref<4096xi32, #tpu.memory_space<hbm>> -> memref<128xi32, #tpu.memory_space<hbm>>
      tpu.wait_dma2 semaphore(%run_scoped3A : memref<!tpu.dma_semaphore, #tpu.memory_space<semaphore_mem>>) src(%dma_wait3A_64 : memref<128xi32, #tpu.memory_space<hbm>>) dst(%arg8 : memref<128xi32, #tpu.memory_space<vmem>>)
      tpu.yield
    }) : () -> ()
    "tpu.region"() ({
      %run_scoped3A = tpu.sem_alloc : memref<!tpu.dma_semaphore, #tpu.memory_space<semaphore_mem>>
      %dma_start3A_61 = tpu.memref_slice %arg4[%multiple_of3A] : memref<4096xi32, #tpu.memory_space<hbm>> -> memref<128xi32, #tpu.memory_space<hbm>>
      %dma_start3A_62 = tpu.memref_slice %arg4[%multiple_of3A] : memref<4096xi32, #tpu.memory_space<hbm>> -> memref<128xi32, #tpu.memory_space<hbm>>
      tpu.enqueue_dma source(%dma_start3A_62 : memref<128xi32, #tpu.memory_space<hbm>>) target(%arg9 : memref<128xi32, #tpu.memory_space<vmem>>) target_semaphore(%run_scoped3A : memref<!tpu.dma_semaphore, #tpu.memory_space<semaphore_mem>>)
      %dma_wait3A_63 = tpu.memref_slice %arg4[%multiple_of3A] : memref<4096xi32, #tpu.memory_space<hbm>> -> memref<128xi32, #tpu.memory_space<hbm>>
      %dma_wait3A_64 = tpu.memref_slice %arg4[%multiple_of3A] : memref<4096xi32, #tpu.memory_space<hbm>> -> memref<128xi32, #tpu.memory_space<hbm>>
      tpu.wait_dma2 semaphore(%run_scoped3A : memref<!tpu.dma_semaphore, #tpu.memory_space<semaphore_mem>>) src(%dma_wait3A_64 : memref<128xi32, #tpu.memory_space<hbm>>) dst(%arg9 : memref<128xi32, #tpu.memory_space<vmem>>)
      tpu.yield
    }) : () -> ()
    %add3A_3 = arith.constant 0 : i32
    %add3A_4 = arith.addi %multiple_of3A, %add3A_3 : i32
    %dma_start3A = arith.constant 0 : i32
    %dma_start3A_5 = tpu.memref_slice %arg2[%add3A_4, %dma_start3A] : memref<4096x768xf32, #tpu.memory_space<hbm>> -> memref<64x768xf32, #tpu.memory_space<hbm>>
    %dma_start3A_6 = arith.constant 0 : i32
    %dma_start3A_7 = tpu.memref_slice %arg2[%add3A_4, %dma_start3A_6] : memref<4096x768xf32, #tpu.memory_space<hbm>> -> memref<64x768xf32, #tpu.memory_space<hbm>>
    tpu.enqueue_dma source(%dma_start3A_7 : memref<64x768xf32, #tpu.memory_space<hbm>>) target(%arg6 : memref<64x768xf32, #tpu.memory_space<vmem>>) target_semaphore(%arg10 : memref<!tpu.dma_semaphore, #tpu.memory_space<semaphore_mem>>)
    %add3A_8 = arith.constant 64 : i32
    %add3A_9 = arith.addi %multiple_of3A, %add3A_8 : i32
    %dma_start3A_10 = arith.constant 0 : i32
    %dma_start3A_11 = tpu.memref_slice %arg2[%add3A_9, %dma_start3A_10] : memref<4096x768xf32, #tpu.memory_space<hbm>> -> memref<64x768xf32, #tpu.memory_space<hbm>>
    %dma_start3A_12 = arith.constant 0 : i32
    %dma_start3A_13 = tpu.memref_slice %arg2[%add3A_9, %dma_start3A_12] : memref<4096x768xf32, #tpu.memory_space<hbm>> -> memref<64x768xf32, #tpu.memory_space<hbm>>
    tpu.enqueue_dma source(%dma_start3A_13 : memref<64x768xf32, #tpu.memory_space<hbm>>) target(%arg7 : memref<64x768xf32, #tpu.memory_space<vmem>>) target_semaphore(%arg11 : memref<!tpu.dma_semaphore, #tpu.memory_space<semaphore_mem>>)
    %dma_wait3A = arith.constant 0 : i32
    %dma_wait3A_14 = tpu.memref_slice %arg2[%add3A_4, %dma_wait3A] : memref<4096x768xf32, #tpu.memory_space<hbm>> -> memref<64x768xf32, #tpu.memory_space<hbm>>
    %dma_wait3A_15 = arith.constant 0 : i32
    %dma_wait3A_16 = tpu.memref_slice %arg2[%add3A_4, %dma_wait3A_15] : memref<4096x768xf32, #tpu.memory_space<hbm>> -> memref<64x768xf32, #tpu.memory_space<hbm>>
    tpu.wait_dma2 semaphore(%arg10 : memref<!tpu.dma_semaphore, #tpu.memory_space<semaphore_mem>>) src(%dma_wait3A_16 : memref<64x768xf32, #tpu.memory_space<hbm>>) dst(%arg6 : memref<64x768xf32, #tpu.memory_space<vmem>>)
    %dma_start3A_17 = arith.constant 0 : i32
    %dma_start3A_18 = tpu.memref_slice %arg8[%dma_start3A_17] : memref<128xi32, #tpu.memory_space<vmem>> -> memref<64xi32, #tpu.memory_space<vmem>>
    %dma_start3A_19 = arith.constant 0 : i32
    %dma_start3A_20 = arith.constant 0 : i32
    %dma_start3A_21 = tpu.memref_slice %arg5[%dma_start3A_19, %dma_start3A_20] : memref<17408x768xf32, #tpu.memory_space<hbm>> -> memref<17408x768xf32, #tpu.memory_space<hbm>>
    tpu.enqueue_indirect_dma source(%arg6 : memref<64x768xf32, #tpu.memory_space<vmem>>) target(%dma_start3A_21 : memref<17408x768xf32, #tpu.memory_space<hbm>>) offsets(%dma_start3A_18 : memref<64xi32, #tpu.memory_space<vmem>>) semaphore(%arg12 : memref<!tpu.dma_semaphore, #tpu.memory_space<semaphore_mem>>)
    %dma_start3A_22 = arith.constant 0 : i32
    %dma_start3A_23 = tpu.memref_slice %arg9[%dma_start3A_22] : memref<128xi32, #tpu.memory_space<vmem>> -> memref<64xi32, #tpu.memory_space<vmem>>
    %dma_start3A_24 = arith.constant 0 : i32
    %dma_start3A_25 = arith.constant 0 : i32
    %dma_start3A_26 = tpu.memref_slice %arg5[%dma_start3A_24, %dma_start3A_25] : memref<17408x768xf32, #tpu.memory_space<hbm>> -> memref<17408x768xf32, #tpu.memory_space<hbm>>
    tpu.enqueue_indirect_dma source(%arg6 : memref<64x768xf32, #tpu.memory_space<vmem>>) target(%dma_start3A_26 : memref<17408x768xf32, #tpu.memory_space<hbm>>) offsets(%dma_start3A_23 : memref<64xi32, #tpu.memory_space<vmem>>) semaphore(%arg14 : memref<!tpu.dma_semaphore, #tpu.memory_space<semaphore_mem>>)
    %dma_wait3A_27 = arith.constant 0 : i32
    %dma_wait3A_28 = tpu.memref_slice %arg2[%add3A_9, %dma_wait3A_27] : memref<4096x768xf32, #tpu.memory_space<hbm>> -> memref<64x768xf32, #tpu.memory_space<hbm>>
    %dma_wait3A_29 = arith.constant 0 : i32
    %dma_wait3A_30 = tpu.memref_slice %arg2[%add3A_9, %dma_wait3A_29] : memref<4096x768xf32, #tpu.memory_space<hbm>> -> memref<64x768xf32, #tpu.memory_space<hbm>>
    tpu.wait_dma2 semaphore(%arg11 : memref<!tpu.dma_semaphore, #tpu.memory_space<semaphore_mem>>) src(%dma_wait3A_30 : memref<64x768xf32, #tpu.memory_space<hbm>>) dst(%arg7 : memref<64x768xf32, #tpu.memory_space<vmem>>)
    %dma_start3A_31 = arith.constant 64 : i32
    %dma_start3A_32 = tpu.memref_slice %arg8[%dma_start3A_31] : memref<128xi32, #tpu.memory_space<vmem>> -> memref<64xi32, #tpu.memory_space<vmem>>
    %dma_start3A_33 = arith.constant 0 : i32
    %dma_start3A_34 = arith.constant 0 : i32
    %dma_start3A_35 = tpu.memref_slice %arg5[%dma_start3A_33, %dma_start3A_34] : memref<17408x768xf32, #tpu.memory_space<hbm>> -> memref<17408x768xf32, #tpu.memory_space<hbm>>
    tpu.enqueue_indirect_dma source(%arg7 : memref<64x768xf32, #tpu.memory_space<vmem>>) target(%dma_start3A_35 : memref<17408x768xf32, #tpu.memory_space<hbm>>) offsets(%dma_start3A_32 : memref<64xi32, #tpu.memory_space<vmem>>) semaphore(%arg13 : memref<!tpu.dma_semaphore, #tpu.memory_space<semaphore_mem>>)
    %dma_start3A_36 = arith.constant 64 : i32
    %dma_start3A_37 = tpu.memref_slice %arg9[%dma_start3A_36] : memref<128xi32, #tpu.memory_space<vmem>> -> memref<64xi32, #tpu.memory_space<vmem>>
    %dma_start3A_38 = arith.constant 0 : i32
    %dma_start3A_39 = arith.constant 0 : i32
    %dma_start3A_40 = tpu.memref_slice %arg5[%dma_start3A_38, %dma_start3A_39] : memref<17408x768xf32, #tpu.memory_space<hbm>> -> memref<17408x768xf32, #tpu.memory_space<hbm>>
    tpu.enqueue_indirect_dma source(%arg7 : memref<64x768xf32, #tpu.memory_space<vmem>>) target(%dma_start3A_40 : memref<17408x768xf32, #tpu.memory_space<hbm>>) offsets(%dma_start3A_37 : memref<64xi32, #tpu.memory_space<vmem>>) semaphore(%arg15 : memref<!tpu.dma_semaphore, #tpu.memory_space<semaphore_mem>>)
    %dma_wait3A_41 = arith.constant 0 : i32
    %dma_wait3A_42 = tpu.memref_slice %arg8[%dma_wait3A_41] : memref<128xi32, #tpu.memory_space<vmem>> -> memref<64xi32, #tpu.memory_space<vmem>>
    %dma_wait3A_43 = arith.constant 0 : i32
    %dma_wait3A_44 = arith.constant 0 : i32
    %dma_wait3A_45 = tpu.memref_slice %arg5[%dma_wait3A_43, %dma_wait3A_44] : memref<17408x768xf32, #tpu.memory_space<hbm>> -> memref<17408x768xf32, #tpu.memory_space<hbm>>
    tpu.wait_indirect_dma semaphore(%arg12 : memref<!tpu.dma_semaphore, #tpu.memory_space<semaphore_mem>>) src(%arg6 : memref<64x768xf32, #tpu.memory_space<vmem>>) dst(%dma_wait3A_45 : memref<17408x768xf32, #tpu.memory_space<hbm>>)
    %dma_wait3A_46 = arith.constant 0 : i32
    %dma_wait3A_47 = tpu.memref_slice %arg9[%dma_wait3A_46] : memref<128xi32, #tpu.memory_space<vmem>> -> memref<64xi32, #tpu.memory_space<vmem>>
    %dma_wait3A_48 = arith.constant 0 : i32
    %dma_wait3A_49 = arith.constant 0 : i32
    %dma_wait3A_50 = tpu.memref_slice %arg5[%dma_wait3A_48, %dma_wait3A_49] : memref<17408x768xf32, #tpu.memory_space<hbm>> -> memref<17408x768xf32, #tpu.memory_space<hbm>>
    tpu.wait_indirect_dma semaphore(%arg14 : memref<!tpu.dma_semaphore, #tpu.memory_space<semaphore_mem>>) src(%arg6 : memref<64x768xf32, #tpu.memory_space<vmem>>) dst(%dma_wait3A_50 : memref<17408x768xf32, #tpu.memory_space<hbm>>)
    %dma_wait3A_51 = arith.constant 64 : i32
    %dma_wait3A_52 = tpu.memref_slice %arg8[%dma_wait3A_51] : memref<128xi32, #tpu.memory_space<vmem>> -> memref<64xi32, #tpu.memory_space<vmem>>
    %dma_wait3A_53 = arith.constant 0 : i32
    %dma_wait3A_54 = arith.constant 0 : i32
    %dma_wait3A_55 = tpu.memref_slice %arg5[%dma_wait3A_53, %dma_wait3A_54] : memref<17408x768xf32, #tpu.memory_space<hbm>> -> memref<17408x768xf32, #tpu.memory_space<hbm>>
    tpu.wait_indirect_dma semaphore(%arg13 : memref<!tpu.dma_semaphore, #tpu.memory_space<semaphore_mem>>) src(%arg7 : memref<64x768xf32, #tpu.memory_space<vmem>>) dst(%dma_wait3A_55 : memref<17408x768xf32, #tpu.memory_space<hbm>>)
    %dma_wait3A_56 = arith.constant 64 : i32
    %dma_wait3A_57 = tpu.memref_slice %arg9[%dma_wait3A_56] : memref<128xi32, #tpu.memory_space<vmem>> -> memref<64xi32, #tpu.memory_space<vmem>>
    %dma_wait3A_58 = arith.constant 0 : i32
    %dma_wait3A_59 = arith.constant 0 : i32
    %dma_wait3A_60 = tpu.memref_slice %arg5[%dma_wait3A_58, %dma_wait3A_59] : memref<17408x768xf32, #tpu.memory_space<hbm>> -> memref<17408x768xf32, #tpu.memory_space<hbm>>
    tpu.wait_indirect_dma semaphore(%arg15 : memref<!tpu.dma_semaphore, #tpu.memory_space<semaphore_mem>>) src(%arg7 : memref<64x768xf32, #tpu.memory_space<vmem>>) dst(%dma_wait3A_60 : memref<17408x768xf32, #tpu.memory_space<hbm>>)
    return
  }
}

#map = affine_map<(d0, d1) -> (0, 0)>
#map1 = affine_map<(d0, d1) -> (0)>
module attributes {stable_mosaic.version = 14 : i64} {
  func.func @_combine_body(%arg0: i32, %arg1: i32, %arg2: memref<17408x768xf32, #tpu.memory_space<hbm>>, %arg3: memref<8192xi32, #tpu.memory_space<hbm>>, %arg4: memref<8192x16xf32, #tpu.memory_space<hbm>>, %arg5: memref<4096x768xf32, #tpu.memory_space<hbm>>, %arg6: memref<64x768xf32, #tpu.memory_space<vmem>>, %arg7: memref<64x768xf32, #tpu.memory_space<vmem>>, %arg8: memref<256xi32, #tpu.memory_space<vmem>>, %arg9: memref<64x16xf32, #tpu.memory_space<vmem>>, %arg10: memref<!tpu.dma_semaphore, #tpu.memory_space<semaphore_mem>>, %arg11: memref<!tpu.dma_semaphore, #tpu.memory_space<semaphore_mem>>, %arg12: memref<!tpu.dma_semaphore, #tpu.memory_space<semaphore_mem>>, %arg13: memref<!tpu.dma_semaphore, #tpu.memory_space<semaphore_mem>>) attributes {dimension_semantics = [#tpu.dimension_semantics<core_parallel>, #tpu.dimension_semantics<subcore_parallel>], iteration_bounds = array<i64: 2, 16>, scalar_prefetch = 0 : i64, scratch_operands = 8 : i64, tpu.core_type = #tpu.core_type<sc_vector_subcore>, window_params = [{transform_indices = #map}, {transform_indices = #map1}, {transform_indices = #map}, {transform_indices = #map}]} {
    %mul3A = arith.constant 2 : i32
    %mul3A_0 = arith.muli %arg1, %mul3A : i32
    %add3A = arith.addi %mul3A_0, %arg0 : i32
    %mul3A_1 = arith.constant 256 : i32
    %mul3A_2 = arith.muli %add3A, %mul3A_1 : i32
    %multiple_of3A = tpu.assume_multiple %mul3A_2, 256 : i32
    %mul3A_3 = arith.constant 128 : i32
    %mul3A_4 = arith.muli %add3A, %mul3A_3 : i32
    "tpu.region"() ({
      %run_scoped3A = tpu.sem_alloc : memref<!tpu.dma_semaphore, #tpu.memory_space<semaphore_mem>>
      %dma_start3A_166 = tpu.memref_slice %arg3[%multiple_of3A] : memref<8192xi32, #tpu.memory_space<hbm>> -> memref<256xi32, #tpu.memory_space<hbm>>
      %dma_start3A_167 = tpu.memref_slice %arg3[%multiple_of3A] : memref<8192xi32, #tpu.memory_space<hbm>> -> memref<256xi32, #tpu.memory_space<hbm>>
      tpu.enqueue_dma source(%dma_start3A_167 : memref<256xi32, #tpu.memory_space<hbm>>) target(%arg8 : memref<256xi32, #tpu.memory_space<vmem>>) target_semaphore(%run_scoped3A : memref<!tpu.dma_semaphore, #tpu.memory_space<semaphore_mem>>)
      %dma_wait3A_168 = tpu.memref_slice %arg3[%multiple_of3A] : memref<8192xi32, #tpu.memory_space<hbm>> -> memref<256xi32, #tpu.memory_space<hbm>>
      %dma_wait3A_169 = tpu.memref_slice %arg3[%multiple_of3A] : memref<8192xi32, #tpu.memory_space<hbm>> -> memref<256xi32, #tpu.memory_space<hbm>>
      tpu.wait_dma2 semaphore(%run_scoped3A : memref<!tpu.dma_semaphore, #tpu.memory_space<semaphore_mem>>) src(%dma_wait3A_169 : memref<256xi32, #tpu.memory_space<hbm>>) dst(%arg8 : memref<256xi32, #tpu.memory_space<vmem>>)
      tpu.yield
    }) : () -> ()
    %dma_start3A = arith.constant 0 : i32
    %dma_start3A_5 = tpu.memref_slice %arg8[%dma_start3A] : memref<256xi32, #tpu.memory_space<vmem>> -> memref<64xi32, #tpu.memory_space<vmem>>
    %dma_start3A_6 = arith.constant 0 : i32
    %dma_start3A_7 = arith.constant 0 : i32
    %dma_start3A_8 = tpu.memref_slice %arg2[%dma_start3A_6, %dma_start3A_7] : memref<17408x768xf32, #tpu.memory_space<hbm>> -> memref<17408x768xf32, #tpu.memory_space<hbm>>
    tpu.enqueue_indirect_dma source(%dma_start3A_8 : memref<17408x768xf32, #tpu.memory_space<hbm>>) target(%arg6 : memref<64x768xf32, #tpu.memory_space<vmem>>) offsets(%dma_start3A_5 : memref<64xi32, #tpu.memory_space<vmem>>) semaphore(%arg10 : memref<!tpu.dma_semaphore, #tpu.memory_space<semaphore_mem>>)
    %dma_start3A_9 = arith.constant 64 : i32
    %dma_start3A_10 = tpu.memref_slice %arg8[%dma_start3A_9] : memref<256xi32, #tpu.memory_space<vmem>> -> memref<64xi32, #tpu.memory_space<vmem>>
    %dma_start3A_11 = arith.constant 0 : i32
    %dma_start3A_12 = arith.constant 0 : i32
    %dma_start3A_13 = tpu.memref_slice %arg2[%dma_start3A_11, %dma_start3A_12] : memref<17408x768xf32, #tpu.memory_space<hbm>> -> memref<17408x768xf32, #tpu.memory_space<hbm>>
    tpu.enqueue_indirect_dma source(%dma_start3A_13 : memref<17408x768xf32, #tpu.memory_space<hbm>>) target(%arg7 : memref<64x768xf32, #tpu.memory_space<vmem>>) offsets(%dma_start3A_10 : memref<64xi32, #tpu.memory_space<vmem>>) semaphore(%arg11 : memref<!tpu.dma_semaphore, #tpu.memory_space<semaphore_mem>>)
    %add3A_14 = arith.constant 0 : i32
    %add3A_15 = arith.addi %multiple_of3A, %add3A_14 : i32
    "tpu.region"() ({
      %run_scoped3A = tpu.sem_alloc : memref<!tpu.dma_semaphore, #tpu.memory_space<semaphore_mem>>
      %dma_start3A_166 = arith.constant 0 : i32
      %dma_start3A_167 = tpu.memref_slice %arg4[%add3A_15, %dma_start3A_166] : memref<8192x16xf32, #tpu.memory_space<hbm>> -> memref<64x16xf32, #tpu.memory_space<hbm>>
      %dma_start3A_168 = arith.constant 0 : i32
      %dma_start3A_169 = tpu.memref_slice %arg4[%add3A_15, %dma_start3A_168] : memref<8192x16xf32, #tpu.memory_space<hbm>> -> memref<64x16xf32, #tpu.memory_space<hbm>>
      tpu.enqueue_dma source(%dma_start3A_169 : memref<64x16xf32, #tpu.memory_space<hbm>>) target(%arg9 : memref<64x16xf32, #tpu.memory_space<vmem>>) target_semaphore(%run_scoped3A : memref<!tpu.dma_semaphore, #tpu.memory_space<semaphore_mem>>)
      %dma_wait3A_170 = arith.constant 0 : i32
      %dma_wait3A_171 = tpu.memref_slice %arg4[%add3A_15, %dma_wait3A_170] : memref<8192x16xf32, #tpu.memory_space<hbm>> -> memref<64x16xf32, #tpu.memory_space<hbm>>
      %dma_wait3A_172 = arith.constant 0 : i32
      %dma_wait3A_173 = tpu.memref_slice %arg4[%add3A_15, %dma_wait3A_172] : memref<8192x16xf32, #tpu.memory_space<hbm>> -> memref<64x16xf32, #tpu.memory_space<hbm>>
      tpu.wait_dma2 semaphore(%run_scoped3A : memref<!tpu.dma_semaphore, #tpu.memory_space<semaphore_mem>>) src(%dma_wait3A_173 : memref<64x16xf32, #tpu.memory_space<hbm>>) dst(%arg9 : memref<64x16xf32, #tpu.memory_space<vmem>>)
      tpu.yield
    }) : () -> ()
    %dma_wait3A = arith.constant 0 : i32
    %dma_wait3A_16 = tpu.memref_slice %arg8[%dma_wait3A] : memref<256xi32, #tpu.memory_space<vmem>> -> memref<64xi32, #tpu.memory_space<vmem>>
    %dma_wait3A_17 = arith.constant 0 : i32
    %dma_wait3A_18 = arith.constant 0 : i32
    %dma_wait3A_19 = tpu.memref_slice %arg2[%dma_wait3A_17, %dma_wait3A_18] : memref<17408x768xf32, #tpu.memory_space<hbm>> -> memref<17408x768xf32, #tpu.memory_space<hbm>>
    tpu.wait_indirect_dma semaphore(%arg10 : memref<!tpu.dma_semaphore, #tpu.memory_space<semaphore_mem>>) src(%dma_wait3A_19 : memref<17408x768xf32, #tpu.memory_space<hbm>>) dst(%arg6 : memref<64x768xf32, #tpu.memory_space<vmem>>)
    %scan3A = arith.constant 0 : i32
    %scan3A_20 = arith.constant 0 : i32
    %scan3A_21 = arith.constant 32 : i32
    %scan3A_22 = arith.addi %scan3A_20, %scan3A_21 : i32
    %scan3A_23 = arith.constant 1 : i32
    %scan3A_24 = scf.for %scan3A_166 = %scan3A_20 to %scan3A_22 step %scan3A_23 iter_args(%scan3A_167 = %scan3A) -> (i32)  : i32 {
      %mul3A_168 = arith.constant 2 : i32
      %mul3A_169 = arith.muli %mul3A_168, %scan3A_166 : i32
      %get3A = arith.index_cast %mul3A_169 : i32 to index
      %get3A_170 = arith.constant 0 : index
      %get3A_171 = tpu.vector_load %arg9[%get3A, %get3A_170] {strides = array<i32>} : memref<64x16xf32, #tpu.memory_space<vmem>>, vector<1x16xf32>,
      %get3A_172 = vector.shape_cast %get3A_171 : vector<1x16xf32> to vector<16xf32>
      %mul3A_173 = arith.constant 2 : i32
      %mul3A_174 = arith.muli %mul3A_173, %scan3A_166 : i32
      %add3A_175 = arith.constant 1 : i32
      %add3A_176 = arith.addi %mul3A_174, %add3A_175 : i32
      %get3A_177 = arith.index_cast %add3A_176 : i32 to index
      %get3A_178 = arith.constant 0 : index
      %get3A_179 = tpu.vector_load %arg9[%get3A_177, %get3A_178] {strides = array<i32>} : memref<64x16xf32, #tpu.memory_space<vmem>>, vector<1x16xf32>,
      %get3A_180 = vector.shape_cast %get3A_179 : vector<1x16xf32> to vector<16xf32>
      %scan3A_181 = arith.constant 0 : i32
      %scan3A_182 = arith.constant 0 : i32
      %scan3A_183 = arith.constant 48 : i32
      %scan3A_184 = arith.addi %scan3A_182, %scan3A_183 : i32
      %scan3A_185 = arith.constant 1 : i32
      %scan3A_186 = scf.for %scan3A_189 = %scan3A_182 to %scan3A_184 step %scan3A_185 iter_args(%scan3A_190 = %scan3A_181) -> (i32)  : i32 {
        %mul3A_191 = arith.constant 2 : i32
        %mul3A_192 = arith.muli %mul3A_191, %scan3A_166 : i32
        %mul3A_193 = arith.constant 16 : i32
        %mul3A_194 = arith.muli %scan3A_189, %mul3A_193 : i32
        %get3A_195 = arith.index_cast %mul3A_192 : i32 to index
        %get3A_196 = arith.index_cast %mul3A_194 : i32 to index
        %get3A_197 = tpu.vector_load %arg6[%get3A_195, %get3A_196] {strides = array<i32>} : memref<64x768xf32, #tpu.memory_space<vmem>>, vector<1x16xf32>,
        %get3A_198 = vector.shape_cast %get3A_197 : vector<1x16xf32> to vector<16xf32>
        %mul3A_199 = arith.mulf %get3A_198, %get3A_172 : vector<16xf32>
        %mul3A_200 = arith.constant 2 : i32
        %mul3A_201 = arith.muli %mul3A_200, %scan3A_166 : i32
        %add3A_202 = arith.constant 1 : i32
        %add3A_203 = arith.addi %mul3A_201, %add3A_202 : i32
        %mul3A_204 = arith.constant 16 : i32
        %mul3A_205 = arith.muli %scan3A_189, %mul3A_204 : i32
        %get3A_206 = arith.index_cast %add3A_203 : i32 to index
        %get3A_207 = arith.index_cast %mul3A_205 : i32 to index
        %get3A_208 = tpu.vector_load %arg6[%get3A_206, %get3A_207] {strides = array<i32>} : memref<64x768xf32, #tpu.memory_space<vmem>>, vector<1x16xf32>,
        %get3A_209 = vector.shape_cast %get3A_208 : vector<1x16xf32> to vector<16xf32>
        %mul3A_210 = arith.mulf %get3A_209, %get3A_180 : vector<16xf32>
        %add3A_211 = arith.addf %mul3A_199, %mul3A_210 : vector<16xf32>
        %mul3A_212 = arith.constant 16 : i32
        %mul3A_213 = arith.muli %scan3A_189, %mul3A_212 : i32
        %swap3A = arith.index_cast %scan3A_166 : i32 to index
        %swap3A_214 = arith.index_cast %mul3A_213 : i32 to index
        %swap3A_215 = tpu.vector_load %arg6[%swap3A, %swap3A_214] {strides = array<i32>} : memref<64x768xf32, #tpu.memory_space<vmem>>, vector<1x16xf32>,
        %swap3A_216 = vector.shape_cast %swap3A_215 : vector<1x16xf32> to vector<16xf32>
        %swap3A_217 = vector.shape_cast %add3A_211 : vector<16xf32> to vector<1x16xf32>
        tpu.vector_store %arg6[%swap3A, %swap3A_214], %swap3A_217 {strides = array<i32>} : memref<64x768xf32, #tpu.memory_space<vmem>>, vector<1x16xf32>,
        %scan3A_218 = arith.constant 0 : i32
        scf.yield %scan3A_218 : i32
      }
      %scan3A_187 = arith.constant 48 : i32
      %scan3A_188 = arith.constant 0 : i32
      scf.yield %scan3A_188 : i32
    }
    %scan3A_25 = arith.constant 32 : i32
    %add3A_26 = arith.constant 0 : i32
    %add3A_27 = arith.addi %mul3A_4, %add3A_26 : i32
    %dma_start3A_28 = arith.constant 0 : i32
    %dma_start3A_29 = arith.constant 0 : i32
    %dma_start3A_30 = tpu.memref_slice %arg6[%dma_start3A_28, %dma_start3A_29] : memref<64x768xf32, #tpu.memory_space<vmem>> -> memref<32x768xf32, #tpu.memory_space<vmem>>
    %dma_start3A_31 = arith.constant 0 : i32
    %dma_start3A_32 = tpu.memref_slice %arg5[%add3A_27, %dma_start3A_31] : memref<4096x768xf32, #tpu.memory_space<hbm>> -> memref<32x768xf32, #tpu.memory_space<hbm>>
    %dma_start3A_33 = arith.constant 0 : i32
    %dma_start3A_34 = tpu.memref_slice %arg5[%add3A_27, %dma_start3A_33] : memref<4096x768xf32, #tpu.memory_space<hbm>> -> memref<32x768xf32, #tpu.memory_space<hbm>>
    %dma_start3A_35 = arith.constant 0 : i32
    %dma_start3A_36 = arith.constant 0 : i32
    %dma_start3A_37 = tpu.memref_slice %arg6[%dma_start3A_35, %dma_start3A_36] : memref<64x768xf32, #tpu.memory_space<vmem>> -> memref<32x768xf32, #tpu.memory_space<vmem>>
    tpu.enqueue_dma source(%dma_start3A_37 : memref<32x768xf32, #tpu.memory_space<vmem>>) target(%dma_start3A_34 : memref<32x768xf32, #tpu.memory_space<hbm>>) target_semaphore(%arg12 : memref<!tpu.dma_semaphore, #tpu.memory_space<semaphore_mem>>)
    %dma_wait3A_38 = arith.constant 0 : i32
    %dma_wait3A_39 = arith.constant 0 : i32
    %dma_wait3A_40 = tpu.memref_slice %arg6[%dma_wait3A_38, %dma_wait3A_39] : memref<64x768xf32, #tpu.memory_space<vmem>> -> memref<32x768xf32, #tpu.memory_space<vmem>>
    %dma_wait3A_41 = arith.constant 0 : i32
    %dma_wait3A_42 = tpu.memref_slice %arg5[%add3A_27, %dma_wait3A_41] : memref<4096x768xf32, #tpu.memory_space<hbm>> -> memref<32x768xf32, #tpu.memory_space<hbm>>
    %dma_wait3A_43 = arith.constant 0 : i32
    %dma_wait3A_44 = tpu.memref_slice %arg5[%add3A_27, %dma_wait3A_43] : memref<4096x768xf32, #tpu.memory_space<hbm>> -> memref<32x768xf32, #tpu.memory_space<hbm>>
    %dma_wait3A_45 = arith.constant 0 : i32
    %dma_wait3A_46 = arith.constant 0 : i32
    %dma_wait3A_47 = tpu.memref_slice %arg6[%dma_wait3A_45, %dma_wait3A_46] : memref<64x768xf32, #tpu.memory_space<vmem>> -> memref<32x768xf32, #tpu.memory_space<vmem>>
    tpu.wait_dma2 semaphore(%arg12 : memref<!tpu.dma_semaphore, #tpu.memory_space<semaphore_mem>>) src(%dma_wait3A_47 : memref<32x768xf32, #tpu.memory_space<vmem>>) dst(%dma_wait3A_44 : memref<32x768xf32, #tpu.memory_space<hbm>>)
    %dma_start3A_48 = arith.constant 128 : i32
    %dma_start3A_49 = tpu.memref_slice %arg8[%dma_start3A_48] : memref<256xi32, #tpu.memory_space<vmem>> -> memref<64xi32, #tpu.memory_space<vmem>>
    %dma_start3A_50 = arith.constant 0 : i32
    %dma_start3A_51 = arith.constant 0 : i32
    %dma_start3A_52 = tpu.memref_slice %arg2[%dma_start3A_50, %dma_start3A_51] : memref<17408x768xf32, #tpu.memory_space<hbm>> -> memref<17408x768xf32, #tpu.memory_space<hbm>>
    tpu.enqueue_indirect_dma source(%dma_start3A_52 : memref<17408x768xf32, #tpu.memory_space<hbm>>) target(%arg6 : memref<64x768xf32, #tpu.memory_space<vmem>>) offsets(%dma_start3A_49 : memref<64xi32, #tpu.memory_space<vmem>>) semaphore(%arg10 : memref<!tpu.dma_semaphore, #tpu.memory_space<semaphore_mem>>)
    %add3A_53 = arith.constant 64 : i32
    %add3A_54 = arith.addi %multiple_of3A, %add3A_53 : i32
    "tpu.region"() ({
      %run_scoped3A = tpu.sem_alloc : memref<!tpu.dma_semaphore, #tpu.memory_space<semaphore_mem>>
      %dma_start3A_166 = arith.constant 0 : i32
      %dma_start3A_167 = tpu.memref_slice %arg4[%add3A_54, %dma_start3A_166] : memref<8192x16xf32, #tpu.memory_space<hbm>> -> memref<64x16xf32, #tpu.memory_space<hbm>>
      %dma_start3A_168 = arith.constant 0 : i32
      %dma_start3A_169 = tpu.memref_slice %arg4[%add3A_54, %dma_start3A_168] : memref<8192x16xf32, #tpu.memory_space<hbm>> -> memref<64x16xf32, #tpu.memory_space<hbm>>
      tpu.enqueue_dma source(%dma_start3A_169 : memref<64x16xf32, #tpu.memory_space<hbm>>) target(%arg9 : memref<64x16xf32, #tpu.memory_space<vmem>>) target_semaphore(%run_scoped3A : memref<!tpu.dma_semaphore, #tpu.memory_space<semaphore_mem>>)
      %dma_wait3A_170 = arith.constant 0 : i32
      %dma_wait3A_171 = tpu.memref_slice %arg4[%add3A_54, %dma_wait3A_170] : memref<8192x16xf32, #tpu.memory_space<hbm>> -> memref<64x16xf32, #tpu.memory_space<hbm>>
      %dma_wait3A_172 = arith.constant 0 : i32
      %dma_wait3A_173 = tpu.memref_slice %arg4[%add3A_54, %dma_wait3A_172] : memref<8192x16xf32, #tpu.memory_space<hbm>> -> memref<64x16xf32, #tpu.memory_space<hbm>>
      tpu.wait_dma2 semaphore(%run_scoped3A : memref<!tpu.dma_semaphore, #tpu.memory_space<semaphore_mem>>) src(%dma_wait3A_173 : memref<64x16xf32, #tpu.memory_space<hbm>>) dst(%arg9 : memref<64x16xf32, #tpu.memory_space<vmem>>)
      tpu.yield
    }) : () -> ()
    %dma_wait3A_55 = arith.constant 64 : i32
    %dma_wait3A_56 = tpu.memref_slice %arg8[%dma_wait3A_55] : memref<256xi32, #tpu.memory_space<vmem>> -> memref<64xi32, #tpu.memory_space<vmem>>
    %dma_wait3A_57 = arith.constant 0 : i32
    %dma_wait3A_58 = arith.constant 0 : i32
    %dma_wait3A_59 = tpu.memref_slice %arg2[%dma_wait3A_57, %dma_wait3A_58] : memref<17408x768xf32, #tpu.memory_space<hbm>> -> memref<17408x768xf32, #tpu.memory_space<hbm>>
    tpu.wait_indirect_dma semaphore(%arg11 : memref<!tpu.dma_semaphore, #tpu.memory_space<semaphore_mem>>) src(%dma_wait3A_59 : memref<17408x768xf32, #tpu.memory_space<hbm>>) dst(%arg7 : memref<64x768xf32, #tpu.memory_space<vmem>>)
    %scan3A_60 = arith.constant 0 : i32
    %scan3A_61 = arith.constant 0 : i32
    %scan3A_62 = arith.constant 32 : i32
    %scan3A_63 = arith.addi %scan3A_61, %scan3A_62 : i32
    %scan3A_64 = arith.constant 1 : i32
    %scan3A_65 = scf.for %scan3A_166 = %scan3A_61 to %scan3A_63 step %scan3A_64 iter_args(%scan3A_167 = %scan3A_60) -> (i32)  : i32 {
      %mul3A_168 = arith.constant 2 : i32
      %mul3A_169 = arith.muli %mul3A_168, %scan3A_166 : i32
      %get3A = arith.index_cast %mul3A_169 : i32 to index
      %get3A_170 = arith.constant 0 : index
      %get3A_171 = tpu.vector_load %arg9[%get3A, %get3A_170] {strides = array<i32>} : memref<64x16xf32, #tpu.memory_space<vmem>>, vector<1x16xf32>,
      %get3A_172 = vector.shape_cast %get3A_171 : vector<1x16xf32> to vector<16xf32>
      %mul3A_173 = arith.constant 2 : i32
      %mul3A_174 = arith.muli %mul3A_173, %scan3A_166 : i32
      %add3A_175 = arith.constant 1 : i32
      %add3A_176 = arith.addi %mul3A_174, %add3A_175 : i32
      %get3A_177 = arith.index_cast %add3A_176 : i32 to index
      %get3A_178 = arith.constant 0 : index
      %get3A_179 = tpu.vector_load %arg9[%get3A_177, %get3A_178] {strides = array<i32>} : memref<64x16xf32, #tpu.memory_space<vmem>>, vector<1x16xf32>,
      %get3A_180 = vector.shape_cast %get3A_179 : vector<1x16xf32> to vector<16xf32>
      %scan3A_181 = arith.constant 0 : i32
      %scan3A_182 = arith.constant 0 : i32
      %scan3A_183 = arith.constant 48 : i32
      %scan3A_184 = arith.addi %scan3A_182, %scan3A_183 : i32
      %scan3A_185 = arith.constant 1 : i32
      %scan3A_186 = scf.for %scan3A_189 = %scan3A_182 to %scan3A_184 step %scan3A_185 iter_args(%scan3A_190 = %scan3A_181) -> (i32)  : i32 {
        %mul3A_191 = arith.constant 2 : i32
        %mul3A_192 = arith.muli %mul3A_191, %scan3A_166 : i32
        %mul3A_193 = arith.constant 16 : i32
        %mul3A_194 = arith.muli %scan3A_189, %mul3A_193 : i32
        %get3A_195 = arith.index_cast %mul3A_192 : i32 to index
        %get3A_196 = arith.index_cast %mul3A_194 : i32 to index
        %get3A_197 = tpu.vector_load %arg7[%get3A_195, %get3A_196] {strides = array<i32>} : memref<64x768xf32, #tpu.memory_space<vmem>>, vector<1x16xf32>,
        %get3A_198 = vector.shape_cast %get3A_197 : vector<1x16xf32> to vector<16xf32>
        %mul3A_199 = arith.mulf %get3A_198, %get3A_172 : vector<16xf32>
        %mul3A_200 = arith.constant 2 : i32
        %mul3A_201 = arith.muli %mul3A_200, %scan3A_166 : i32
        %add3A_202 = arith.constant 1 : i32
        %add3A_203 = arith.addi %mul3A_201, %add3A_202 : i32
        %mul3A_204 = arith.constant 16 : i32
        %mul3A_205 = arith.muli %scan3A_189, %mul3A_204 : i32
        %get3A_206 = arith.index_cast %add3A_203 : i32 to index
        %get3A_207 = arith.index_cast %mul3A_205 : i32 to index
        %get3A_208 = tpu.vector_load %arg7[%get3A_206, %get3A_207] {strides = array<i32>} : memref<64x768xf32, #tpu.memory_space<vmem>>, vector<1x16xf32>,
        %get3A_209 = vector.shape_cast %get3A_208 : vector<1x16xf32> to vector<16xf32>
        %mul3A_210 = arith.mulf %get3A_209, %get3A_180 : vector<16xf32>
        %add3A_211 = arith.addf %mul3A_199, %mul3A_210 : vector<16xf32>
        %mul3A_212 = arith.constant 16 : i32
        %mul3A_213 = arith.muli %scan3A_189, %mul3A_212 : i32
        %swap3A = arith.index_cast %scan3A_166 : i32 to index
        %swap3A_214 = arith.index_cast %mul3A_213 : i32 to index
        %swap3A_215 = tpu.vector_load %arg7[%swap3A, %swap3A_214] {strides = array<i32>} : memref<64x768xf32, #tpu.memory_space<vmem>>, vector<1x16xf32>,
        %swap3A_216 = vector.shape_cast %swap3A_215 : vector<1x16xf32> to vector<16xf32>
        %swap3A_217 = vector.shape_cast %add3A_211 : vector<16xf32> to vector<1x16xf32>
        tpu.vector_store %arg7[%swap3A, %swap3A_214], %swap3A_217 {strides = array<i32>} : memref<64x768xf32, #tpu.memory_space<vmem>>, vector<1x16xf32>,
        %scan3A_218 = arith.constant 0 : i32
        scf.yield %scan3A_218 : i32
      }
      %scan3A_187 = arith.constant 48 : i32
      %scan3A_188 = arith.constant 0 : i32
      scf.yield %scan3A_188 : i32
    }
    %scan3A_66 = arith.constant 32 : i32
    %add3A_67 = arith.constant 32 : i32
    %add3A_68 = arith.addi %mul3A_4, %add3A_67 : i32
    %dma_start3A_69 = arith.constant 0 : i32
    %dma_start3A_70 = arith.constant 0 : i32
    %dma_start3A_71 = tpu.memref_slice %arg7[%dma_start3A_69, %dma_start3A_70] : memref<64x768xf32, #tpu.memory_space<vmem>> -> memref<32x768xf32, #tpu.memory_space<vmem>>
    %dma_start3A_72 = arith.constant 0 : i32
    %dma_start3A_73 = tpu.memref_slice %arg5[%add3A_68, %dma_start3A_72] : memref<4096x768xf32, #tpu.memory_space<hbm>> -> memref<32x768xf32, #tpu.memory_space<hbm>>
    %dma_start3A_74 = arith.constant 0 : i32
    %dma_start3A_75 = tpu.memref_slice %arg5[%add3A_68, %dma_start3A_74] : memref<4096x768xf32, #tpu.memory_space<hbm>> -> memref<32x768xf32, #tpu.memory_space<hbm>>
    %dma_start3A_76 = arith.constant 0 : i32
    %dma_start3A_77 = arith.constant 0 : i32
    %dma_start3A_78 = tpu.memref_slice %arg7[%dma_start3A_76, %dma_start3A_77] : memref<64x768xf32, #tpu.memory_space<vmem>> -> memref<32x768xf32, #tpu.memory_space<vmem>>
    tpu.enqueue_dma source(%dma_start3A_78 : memref<32x768xf32, #tpu.memory_space<vmem>>) target(%dma_start3A_75 : memref<32x768xf32, #tpu.memory_space<hbm>>) target_semaphore(%arg13 : memref<!tpu.dma_semaphore, #tpu.memory_space<semaphore_mem>>)
    %dma_wait3A_79 = arith.constant 0 : i32
    %dma_wait3A_80 = arith.constant 0 : i32
    %dma_wait3A_81 = tpu.memref_slice %arg7[%dma_wait3A_79, %dma_wait3A_80] : memref<64x768xf32, #tpu.memory_space<vmem>> -> memref<32x768xf32, #tpu.memory_space<vmem>>
    %dma_wait3A_82 = arith.constant 0 : i32
    %dma_wait3A_83 = tpu.memref_slice %arg5[%add3A_68, %dma_wait3A_82] : memref<4096x768xf32, #tpu.memory_space<hbm>> -> memref<32x768xf32, #tpu.memory_space<hbm>>
    %dma_wait3A_84 = arith.constant 0 : i32
    %dma_wait3A_85 = tpu.memref_slice %arg5[%add3A_68, %dma_wait3A_84] : memref<4096x768xf32, #tpu.memory_space<hbm>> -> memref<32x768xf32, #tpu.memory_space<hbm>>
    %dma_wait3A_86 = arith.constant 0 : i32
    %dma_wait3A_87 = arith.constant 0 : i32
    %dma_wait3A_88 = tpu.memref_slice %arg7[%dma_wait3A_86, %dma_wait3A_87] : memref<64x768xf32, #tpu.memory_space<vmem>> -> memref<32x768xf32, #tpu.memory_space<vmem>>
    tpu.wait_dma2 semaphore(%arg13 : memref<!tpu.dma_semaphore, #tpu.memory_space<semaphore_mem>>) src(%dma_wait3A_88 : memref<32x768xf32, #tpu.memory_space<vmem>>) dst(%dma_wait3A_85 : memref<32x768xf32, #tpu.memory_space<hbm>>)
    %dma_start3A_89 = arith.constant 192 : i32
    %dma_start3A_90 = tpu.memref_slice %arg8[%dma_start3A_89] : memref<256xi32, #tpu.memory_space<vmem>> -> memref<64xi32, #tpu.memory_space<vmem>>
    %dma_start3A_91 = arith.constant 0 : i32
    %dma_start3A_92 = arith.constant 0 : i32
    %dma_start3A_93 = tpu.memref_slice %arg2[%dma_start3A_91, %dma_start3A_92] : memref<17408x768xf32, #tpu.memory_space<hbm>> -> memref<17408x768xf32, #tpu.memory_space<hbm>>
    tpu.enqueue_indirect_dma source(%dma_start3A_93 : memref<17408x768xf32, #tpu.memory_space<hbm>>) target(%arg7 : memref<64x768xf32, #tpu.memory_space<vmem>>) offsets(%dma_start3A_90 : memref<64xi32, #tpu.memory_space<vmem>>) semaphore(%arg11 : memref<!tpu.dma_semaphore, #tpu.memory_space<semaphore_mem>>)
    %add3A_94 = arith.constant 128 : i32
    %add3A_95 = arith.addi %multiple_of3A, %add3A_94 : i32
    "tpu.region"() ({
      %run_scoped3A = tpu.sem_alloc : memref<!tpu.dma_semaphore, #tpu.memory_space<semaphore_mem>>
      %dma_start3A_166 = arith.constant 0 : i32
      %dma_start3A_167 = tpu.memref_slice %arg4[%add3A_95, %dma_start3A_166] : memref<8192x16xf32, #tpu.memory_space<hbm>> -> memref<64x16xf32, #tpu.memory_space<hbm>>
      %dma_start3A_168 = arith.constant 0 : i32
      %dma_start3A_169 = tpu.memref_slice %arg4[%add3A_95, %dma_start3A_168] : memref<8192x16xf32, #tpu.memory_space<hbm>> -> memref<64x16xf32, #tpu.memory_space<hbm>>
      tpu.enqueue_dma source(%dma_start3A_169 : memref<64x16xf32, #tpu.memory_space<hbm>>) target(%arg9 : memref<64x16xf32, #tpu.memory_space<vmem>>) target_semaphore(%run_scoped3A : memref<!tpu.dma_semaphore, #tpu.memory_space<semaphore_mem>>)
      %dma_wait3A_170 = arith.constant 0 : i32
      %dma_wait3A_171 = tpu.memref_slice %arg4[%add3A_95, %dma_wait3A_170] : memref<8192x16xf32, #tpu.memory_space<hbm>> -> memref<64x16xf32, #tpu.memory_space<hbm>>
      %dma_wait3A_172 = arith.constant 0 : i32
      %dma_wait3A_173 = tpu.memref_slice %arg4[%add3A_95, %dma_wait3A_172] : memref<8192x16xf32, #tpu.memory_space<hbm>> -> memref<64x16xf32, #tpu.memory_space<hbm>>
      tpu.wait_dma2 semaphore(%run_scoped3A : memref<!tpu.dma_semaphore, #tpu.memory_space<semaphore_mem>>) src(%dma_wait3A_173 : memref<64x16xf32, #tpu.memory_space<hbm>>) dst(%arg9 : memref<64x16xf32, #tpu.memory_space<vmem>>)
      tpu.yield
    }) : () -> ()
    %dma_wait3A_96 = arith.constant 128 : i32
    %dma_wait3A_97 = tpu.memref_slice %arg8[%dma_wait3A_96] : memref<256xi32, #tpu.memory_space<vmem>> -> memref<64xi32, #tpu.memory_space<vmem>>
    %dma_wait3A_98 = arith.constant 0 : i32
    %dma_wait3A_99 = arith.constant 0 : i32
    %dma_wait3A_100 = tpu.memref_slice %arg2[%dma_wait3A_98, %dma_wait3A_99] : memref<17408x768xf32, #tpu.memory_space<hbm>> -> memref<17408x768xf32, #tpu.memory_space<hbm>>
    tpu.wait_indirect_dma semaphore(%arg10 : memref<!tpu.dma_semaphore, #tpu.memory_space<semaphore_mem>>) src(%dma_wait3A_100 : memref<17408x768xf32, #tpu.memory_space<hbm>>) dst(%arg6 : memref<64x768xf32, #tpu.memory_space<vmem>>)
    %scan3A_101 = arith.constant 0 : i32
    %scan3A_102 = arith.constant 0 : i32
    %scan3A_103 = arith.constant 32 : i32
    %scan3A_104 = arith.addi %scan3A_102, %scan3A_103 : i32
    %scan3A_105 = arith.constant 1 : i32
    %scan3A_106 = scf.for %scan3A_166 = %scan3A_102 to %scan3A_104 step %scan3A_105 iter_args(%scan3A_167 = %scan3A_101) -> (i32)  : i32 {
      %mul3A_168 = arith.constant 2 : i32
      %mul3A_169 = arith.muli %mul3A_168, %scan3A_166 : i32
      %get3A = arith.index_cast %mul3A_169 : i32 to index
      %get3A_170 = arith.constant 0 : index
      %get3A_171 = tpu.vector_load %arg9[%get3A, %get3A_170] {strides = array<i32>} : memref<64x16xf32, #tpu.memory_space<vmem>>, vector<1x16xf32>,
      %get3A_172 = vector.shape_cast %get3A_171 : vector<1x16xf32> to vector<16xf32>
      %mul3A_173 = arith.constant 2 : i32
      %mul3A_174 = arith.muli %mul3A_173, %scan3A_166 : i32
      %add3A_175 = arith.constant 1 : i32
      %add3A_176 = arith.addi %mul3A_174, %add3A_175 : i32
      %get3A_177 = arith.index_cast %add3A_176 : i32 to index
      %get3A_178 = arith.constant 0 : index
      %get3A_179 = tpu.vector_load %arg9[%get3A_177, %get3A_178] {strides = array<i32>} : memref<64x16xf32, #tpu.memory_space<vmem>>, vector<1x16xf32>,
      %get3A_180 = vector.shape_cast %get3A_179 : vector<1x16xf32> to vector<16xf32>
      %scan3A_181 = arith.constant 0 : i32
      %scan3A_182 = arith.constant 0 : i32
      %scan3A_183 = arith.constant 48 : i32
      %scan3A_184 = arith.addi %scan3A_182, %scan3A_183 : i32
      %scan3A_185 = arith.constant 1 : i32
      %scan3A_186 = scf.for %scan3A_189 = %scan3A_182 to %scan3A_184 step %scan3A_185 iter_args(%scan3A_190 = %scan3A_181) -> (i32)  : i32 {
        %mul3A_191 = arith.constant 2 : i32
        %mul3A_192 = arith.muli %mul3A_191, %scan3A_166 : i32
        %mul3A_193 = arith.constant 16 : i32
        %mul3A_194 = arith.muli %scan3A_189, %mul3A_193 : i32
        %get3A_195 = arith.index_cast %mul3A_192 : i32 to index
        %get3A_196 = arith.index_cast %mul3A_194 : i32 to index
        %get3A_197 = tpu.vector_load %arg6[%get3A_195, %get3A_196] {strides = array<i32>} : memref<64x768xf32, #tpu.memory_space<vmem>>, vector<1x16xf32>,
        %get3A_198 = vector.shape_cast %get3A_197 : vector<1x16xf32> to vector<16xf32>
        %mul3A_199 = arith.mulf %get3A_198, %get3A_172 : vector<16xf32>
        %mul3A_200 = arith.constant 2 : i32
        %mul3A_201 = arith.muli %mul3A_200, %scan3A_166 : i32
        %add3A_202 = arith.constant 1 : i32
        %add3A_203 = arith.addi %mul3A_201, %add3A_202 : i32
        %mul3A_204 = arith.constant 16 : i32
        %mul3A_205 = arith.muli %scan3A_189, %mul3A_204 : i32
        %get3A_206 = arith.index_cast %add3A_203 : i32 to index
        %get3A_207 = arith.index_cast %mul3A_205 : i32 to index
        %get3A_208 = tpu.vector_load %arg6[%get3A_206, %get3A_207] {strides = array<i32>} : memref<64x768xf32, #tpu.memory_space<vmem>>, vector<1x16xf32>,
        %get3A_209 = vector.shape_cast %get3A_208 : vector<1x16xf32> to vector<16xf32>
        %mul3A_210 = arith.mulf %get3A_209, %get3A_180 : vector<16xf32>
        %add3A_211 = arith.addf %mul3A_199, %mul3A_210 : vector<16xf32>
        %mul3A_212 = arith.constant 16 : i32
        %mul3A_213 = arith.muli %scan3A_189, %mul3A_212 : i32
        %swap3A = arith.index_cast %scan3A_166 : i32 to index
        %swap3A_214 = arith.index_cast %mul3A_213 : i32 to index
        %swap3A_215 = tpu.vector_load %arg6[%swap3A, %swap3A_214] {strides = array<i32>} : memref<64x768xf32, #tpu.memory_space<vmem>>, vector<1x16xf32>,
        %swap3A_216 = vector.shape_cast %swap3A_215 : vector<1x16xf32> to vector<16xf32>
        %swap3A_217 = vector.shape_cast %add3A_211 : vector<16xf32> to vector<1x16xf32>
        tpu.vector_store %arg6[%swap3A, %swap3A_214], %swap3A_217 {strides = array<i32>} : memref<64x768xf32, #tpu.memory_space<vmem>>, vector<1x16xf32>,
        %scan3A_218 = arith.constant 0 : i32
        scf.yield %scan3A_218 : i32
      }
      %scan3A_187 = arith.constant 48 : i32
      %scan3A_188 = arith.constant 0 : i32
      scf.yield %scan3A_188 : i32
    }
    %scan3A_107 = arith.constant 32 : i32
    %add3A_108 = arith.constant 64 : i32
    %add3A_109 = arith.addi %mul3A_4, %add3A_108 : i32
    %dma_start3A_110 = arith.constant 0 : i32
    %dma_start3A_111 = arith.constant 0 : i32
    %dma_start3A_112 = tpu.memref_slice %arg6[%dma_start3A_110, %dma_start3A_111] : memref<64x768xf32, #tpu.memory_space<vmem>> -> memref<32x768xf32, #tpu.memory_space<vmem>>
    %dma_start3A_113 = arith.constant 0 : i32
    %dma_start3A_114 = tpu.memref_slice %arg5[%add3A_109, %dma_start3A_113] : memref<4096x768xf32, #tpu.memory_space<hbm>> -> memref<32x768xf32, #tpu.memory_space<hbm>>
    %dma_start3A_115 = arith.constant 0 : i32
    %dma_start3A_116 = tpu.memref_slice %arg5[%add3A_109, %dma_start3A_115] : memref<4096x768xf32, #tpu.memory_space<hbm>> -> memref<32x768xf32, #tpu.memory_space<hbm>>
    %dma_start3A_117 = arith.constant 0 : i32
    %dma_start3A_118 = arith.constant 0 : i32
    %dma_start3A_119 = tpu.memref_slice %arg6[%dma_start3A_117, %dma_start3A_118] : memref<64x768xf32, #tpu.memory_space<vmem>> -> memref<32x768xf32, #tpu.memory_space<vmem>>
    tpu.enqueue_dma source(%dma_start3A_119 : memref<32x768xf32, #tpu.memory_space<vmem>>) target(%dma_start3A_116 : memref<32x768xf32, #tpu.memory_space<hbm>>) target_semaphore(%arg12 : memref<!tpu.dma_semaphore, #tpu.memory_space<semaphore_mem>>)
    %add3A_120 = arith.constant 192 : i32
    %add3A_121 = arith.addi %multiple_of3A, %add3A_120 : i32
    "tpu.region"() ({
      %run_scoped3A = tpu.sem_alloc : memref<!tpu.dma_semaphore, #tpu.memory_space<semaphore_mem>>
      %dma_start3A_166 = arith.constant 0 : i32
      %dma_start3A_167 = tpu.memref_slice %arg4[%add3A_121, %dma_start3A_166] : memref<8192x16xf32, #tpu.memory_space<hbm>> -> memref<64x16xf32, #tpu.memory_space<hbm>>
      %dma_start3A_168 = arith.constant 0 : i32
      %dma_start3A_169 = tpu.memref_slice %arg4[%add3A_121, %dma_start3A_168] : memref<8192x16xf32, #tpu.memory_space<hbm>> -> memref<64x16xf32, #tpu.memory_space<hbm>>
      tpu.enqueue_dma source(%dma_start3A_169 : memref<64x16xf32, #tpu.memory_space<hbm>>) target(%arg9 : memref<64x16xf32, #tpu.memory_space<vmem>>) target_semaphore(%run_scoped3A : memref<!tpu.dma_semaphore, #tpu.memory_space<semaphore_mem>>)
      %dma_wait3A_170 = arith.constant 0 : i32
      %dma_wait3A_171 = tpu.memref_slice %arg4[%add3A_121, %dma_wait3A_170] : memref<8192x16xf32, #tpu.memory_space<hbm>> -> memref<64x16xf32, #tpu.memory_space<hbm>>
      %dma_wait3A_172 = arith.constant 0 : i32
      %dma_wait3A_173 = tpu.memref_slice %arg4[%add3A_121, %dma_wait3A_172] : memref<8192x16xf32, #tpu.memory_space<hbm>> -> memref<64x16xf32, #tpu.memory_space<hbm>>
      tpu.wait_dma2 semaphore(%run_scoped3A : memref<!tpu.dma_semaphore, #tpu.memory_space<semaphore_mem>>) src(%dma_wait3A_173 : memref<64x16xf32, #tpu.memory_space<hbm>>) dst(%arg9 : memref<64x16xf32, #tpu.memory_space<vmem>>)
      tpu.yield
    }) : () -> ()
    %dma_wait3A_122 = arith.constant 192 : i32
    %dma_wait3A_123 = tpu.memref_slice %arg8[%dma_wait3A_122] : memref<256xi32, #tpu.memory_space<vmem>> -> memref<64xi32, #tpu.memory_space<vmem>>
    %dma_wait3A_124 = arith.constant 0 : i32
    %dma_wait3A_125 = arith.constant 0 : i32
    %dma_wait3A_126 = tpu.memref_slice %arg2[%dma_wait3A_124, %dma_wait3A_125] : memref<17408x768xf32, #tpu.memory_space<hbm>> -> memref<17408x768xf32, #tpu.memory_space<hbm>>
    tpu.wait_indirect_dma semaphore(%arg11 : memref<!tpu.dma_semaphore, #tpu.memory_space<semaphore_mem>>) src(%dma_wait3A_126 : memref<17408x768xf32, #tpu.memory_space<hbm>>) dst(%arg7 : memref<64x768xf32, #tpu.memory_space<vmem>>)
    %scan3A_127 = arith.constant 0 : i32
    %scan3A_128 = arith.constant 0 : i32
    %scan3A_129 = arith.constant 32 : i32
    %scan3A_130 = arith.addi %scan3A_128, %scan3A_129 : i32
    %scan3A_131 = arith.constant 1 : i32
    %scan3A_132 = scf.for %scan3A_166 = %scan3A_128 to %scan3A_130 step %scan3A_131 iter_args(%scan3A_167 = %scan3A_127) -> (i32)  : i32 {
      %mul3A_168 = arith.constant 2 : i32
      %mul3A_169 = arith.muli %mul3A_168, %scan3A_166 : i32
      %get3A = arith.index_cast %mul3A_169 : i32 to index
      %get3A_170 = arith.constant 0 : index
      %get3A_171 = tpu.vector_load %arg9[%get3A, %get3A_170] {strides = array<i32>} : memref<64x16xf32, #tpu.memory_space<vmem>>, vector<1x16xf32>,
      %get3A_172 = vector.shape_cast %get3A_171 : vector<1x16xf32> to vector<16xf32>
      %mul3A_173 = arith.constant 2 : i32
      %mul3A_174 = arith.muli %mul3A_173, %scan3A_166 : i32
      %add3A_175 = arith.constant 1 : i32
      %add3A_176 = arith.addi %mul3A_174, %add3A_175 : i32
      %get3A_177 = arith.index_cast %add3A_176 : i32 to index
      %get3A_178 = arith.constant 0 : index
      %get3A_179 = tpu.vector_load %arg9[%get3A_177, %get3A_178] {strides = array<i32>} : memref<64x16xf32, #tpu.memory_space<vmem>>, vector<1x16xf32>,
      %get3A_180 = vector.shape_cast %get3A_179 : vector<1x16xf32> to vector<16xf32>
      %scan3A_181 = arith.constant 0 : i32
      %scan3A_182 = arith.constant 0 : i32
      %scan3A_183 = arith.constant 48 : i32
      %scan3A_184 = arith.addi %scan3A_182, %scan3A_183 : i32
      %scan3A_185 = arith.constant 1 : i32
      %scan3A_186 = scf.for %scan3A_189 = %scan3A_182 to %scan3A_184 step %scan3A_185 iter_args(%scan3A_190 = %scan3A_181) -> (i32)  : i32 {
        %mul3A_191 = arith.constant 2 : i32
        %mul3A_192 = arith.muli %mul3A_191, %scan3A_166 : i32
        %mul3A_193 = arith.constant 16 : i32
        %mul3A_194 = arith.muli %scan3A_189, %mul3A_193 : i32
        %get3A_195 = arith.index_cast %mul3A_192 : i32 to index
        %get3A_196 = arith.index_cast %mul3A_194 : i32 to index
        %get3A_197 = tpu.vector_load %arg7[%get3A_195, %get3A_196] {strides = array<i32>} : memref<64x768xf32, #tpu.memory_space<vmem>>, vector<1x16xf32>,
        %get3A_198 = vector.shape_cast %get3A_197 : vector<1x16xf32> to vector<16xf32>
        %mul3A_199 = arith.mulf %get3A_198, %get3A_172 : vector<16xf32>
        %mul3A_200 = arith.constant 2 : i32
        %mul3A_201 = arith.muli %mul3A_200, %scan3A_166 : i32
        %add3A_202 = arith.constant 1 : i32
        %add3A_203 = arith.addi %mul3A_201, %add3A_202 : i32
        %mul3A_204 = arith.constant 16 : i32
        %mul3A_205 = arith.muli %scan3A_189, %mul3A_204 : i32
        %get3A_206 = arith.index_cast %add3A_203 : i32 to index
        %get3A_207 = arith.index_cast %mul3A_205 : i32 to index
        %get3A_208 = tpu.vector_load %arg7[%get3A_206, %get3A_207] {strides = array<i32>} : memref<64x768xf32, #tpu.memory_space<vmem>>, vector<1x16xf32>,
        %get3A_209 = vector.shape_cast %get3A_208 : vector<1x16xf32> to vector<16xf32>
        %mul3A_210 = arith.mulf %get3A_209, %get3A_180 : vector<16xf32>
        %add3A_211 = arith.addf %mul3A_199, %mul3A_210 : vector<16xf32>
        %mul3A_212 = arith.constant 16 : i32
        %mul3A_213 = arith.muli %scan3A_189, %mul3A_212 : i32
        %swap3A = arith.index_cast %scan3A_166 : i32 to index
        %swap3A_214 = arith.index_cast %mul3A_213 : i32 to index
        %swap3A_215 = tpu.vector_load %arg7[%swap3A, %swap3A_214] {strides = array<i32>} : memref<64x768xf32, #tpu.memory_space<vmem>>, vector<1x16xf32>,
        %swap3A_216 = vector.shape_cast %swap3A_215 : vector<1x16xf32> to vector<16xf32>
        %swap3A_217 = vector.shape_cast %add3A_211 : vector<16xf32> to vector<1x16xf32>
        tpu.vector_store %arg7[%swap3A, %swap3A_214], %swap3A_217 {strides = array<i32>} : memref<64x768xf32, #tpu.memory_space<vmem>>, vector<1x16xf32>,
        %scan3A_218 = arith.constant 0 : i32
        scf.yield %scan3A_218 : i32
      }
      %scan3A_187 = arith.constant 48 : i32
      %scan3A_188 = arith.constant 0 : i32
      scf.yield %scan3A_188 : i32
    }
    %scan3A_133 = arith.constant 32 : i32
    %add3A_134 = arith.constant 96 : i32
    %add3A_135 = arith.addi %mul3A_4, %add3A_134 : i32
    %dma_start3A_136 = arith.constant 0 : i32
    %dma_start3A_137 = arith.constant 0 : i32
    %dma_start3A_138 = tpu.memref_slice %arg7[%dma_start3A_136, %dma_start3A_137] : memref<64x768xf32, #tpu.memory_space<vmem>> -> memref<32x768xf32, #tpu.memory_space<vmem>>
    %dma_start3A_139 = arith.constant 0 : i32
    %dma_start3A_140 = tpu.memref_slice %arg5[%add3A_135, %dma_start3A_139] : memref<4096x768xf32, #tpu.memory_space<hbm>> -> memref<32x768xf32, #tpu.memory_space<hbm>>
    %dma_start3A_141 = arith.constant 0 : i32
    %dma_start3A_142 = tpu.memref_slice %arg5[%add3A_135, %dma_start3A_141] : memref<4096x768xf32, #tpu.memory_space<hbm>> -> memref<32x768xf32, #tpu.memory_space<hbm>>
    %dma_start3A_143 = arith.constant 0 : i32
    %dma_start3A_144 = arith.constant 0 : i32
    %dma_start3A_145 = tpu.memref_slice %arg7[%dma_start3A_143, %dma_start3A_144] : memref<64x768xf32, #tpu.memory_space<vmem>> -> memref<32x768xf32, #tpu.memory_space<vmem>>
    tpu.enqueue_dma source(%dma_start3A_145 : memref<32x768xf32, #tpu.memory_space<vmem>>) target(%dma_start3A_142 : memref<32x768xf32, #tpu.memory_space<hbm>>) target_semaphore(%arg13 : memref<!tpu.dma_semaphore, #tpu.memory_space<semaphore_mem>>)
    %dma_wait3A_146 = arith.constant 0 : i32
    %dma_wait3A_147 = arith.constant 0 : i32
    %dma_wait3A_148 = tpu.memref_slice %arg6[%dma_wait3A_146, %dma_wait3A_147] : memref<64x768xf32, #tpu.memory_space<vmem>> -> memref<32x768xf32, #tpu.memory_space<vmem>>
    %dma_wait3A_149 = arith.constant 0 : i32
    %dma_wait3A_150 = tpu.memref_slice %arg5[%add3A_109, %dma_wait3A_149] : memref<4096x768xf32, #tpu.memory_space<hbm>> -> memref<32x768xf32, #tpu.memory_space<hbm>>
    %dma_wait3A_151 = arith.constant 0 : i32
    %dma_wait3A_152 = tpu.memref_slice %arg5[%add3A_109, %dma_wait3A_151] : memref<4096x768xf32, #tpu.memory_space<hbm>> -> memref<32x768xf32, #tpu.memory_space<hbm>>
    %dma_wait3A_153 = arith.constant 0 : i32
    %dma_wait3A_154 = arith.constant 0 : i32
    %dma_wait3A_155 = tpu.memref_slice %arg6[%dma_wait3A_153, %dma_wait3A_154] : memref<64x768xf32, #tpu.memory_space<vmem>> -> memref<32x768xf32, #tpu.memory_space<vmem>>
    tpu.wait_dma2 semaphore(%arg12 : memref<!tpu.dma_semaphore, #tpu.memory_space<semaphore_mem>>) src(%dma_wait3A_155 : memref<32x768xf32, #tpu.memory_space<vmem>>) dst(%dma_wait3A_152 : memref<32x768xf32, #tpu.memory_space<hbm>>)
    %dma_wait3A_156 = arith.constant 0 : i32
    %dma_wait3A_157 = arith.constant 0 : i32
    %dma_wait3A_158 = tpu.memref_slice %arg7[%dma_wait3A_156, %dma_wait3A_157] : memref<64x768xf32, #tpu.memory_space<vmem>> -> memref<32x768xf32, #tpu.memory_space<vmem>>
    %dma_wait3A_159 = arith.constant 0 : i32
    %dma_wait3A_160 = tpu.memref_slice %arg5[%add3A_135, %dma_wait3A_159] : memref<4096x768xf32, #tpu.memory_space<hbm>> -> memref<32x768xf32, #tpu.memory_space<hbm>>
    %dma_wait3A_161 = arith.constant 0 : i32
    %dma_wait3A_162 = tpu.memref_slice %arg5[%add3A_135, %dma_wait3A_161] : memref<4096x768xf32, #tpu.memory_space<hbm>> -> memref<32x768xf32, #tpu.memory_space<hbm>>
    %dma_wait3A_163 = arith.constant 0 : i32
    %dma_wait3A_164 = arith.constant 0 : i32
    %dma_wait3A_165 = tpu.memref_slice %arg7[%dma_wait3A_163, %dma_wait3A_164] : memref<64x768xf32, #tpu.memory_space<vmem>> -> memref<32x768xf32, #tpu.memory_space<vmem>>
    tpu.wait_dma2 semaphore(%arg13 : memref<!tpu.dma_semaphore, #tpu.memory_space<semaphore_mem>>) src(%dma_wait3A_165 : memref<32x768xf32, #tpu.memory_space<vmem>>) dst(%dma_wait3A_162 : memref<32x768xf32, #tpu.memory_space<hbm>>)
    return
  }
}

module attributes {stable_mosaic.version = 14 : i64} {
  func.func @_gating_body(%arg0: i32, %arg1: memref<512x768xf32, #tpu.memory_space<vmem>>, %arg2: memref<768x512xf32, #tpu.memory_space<vmem>>, %arg3: memref<1x512xf32, #tpu.memory_space<vmem>>, %arg4: memref<1x512xf32, #tpu.memory_space<vmem>>, %arg5: memref<1x512xf32, #tpu.memory_space<vmem>>, %arg6: memref<512x64xf32, #tpu.memory_space<vmem>>, %arg7: memref<1x64xf32, #tpu.memory_space<vmem>>, %arg8: memref<512x64xf32, #tpu.memory_space<vmem>>, %arg9: memref<512xi32, #tpu.memory_space<vmem>>, %arg10: memref<512xi32, #tpu.memory_space<vmem>>, %arg11: memref<512xf32, #tpu.memory_space<vmem>>, %arg12: memref<512xf32, #tpu.memory_space<vmem>>, %arg13: memref<1x64xf32, #tpu.memory_space<vmem>>) attributes {dimension_semantics = [#tpu.dimension_semantics<arbitrary>], iteration_bounds = array<i64: 8>, scalar_prefetch = 0 : i64, scratch_operands = 1 : i64, tpu.core_type = #tpu.core_type<tc>, window_params = [{transform_indices = @transform_0, window_bounds = array<i64: 512, 768>}, {pipeline_mode = #tpu.pipeline_mode<synchronous>, transform_indices = @transform_1, window_bounds = array<i64: 768, 512>}, {pipeline_mode = #tpu.pipeline_mode<synchronous>, transform_indices = @transform_2, window_bounds = array<i64: 1, 512>}, {pipeline_mode = #tpu.pipeline_mode<synchronous>, transform_indices = @transform_3, window_bounds = array<i64: 1, 512>}, {pipeline_mode = #tpu.pipeline_mode<synchronous>, transform_indices = @transform_4, window_bounds = array<i64: 1, 512>}, {pipeline_mode = #tpu.pipeline_mode<synchronous>, transform_indices = @transform_5, window_bounds = array<i64: 512, 64>}, {pipeline_mode = #tpu.pipeline_mode<synchronous>, transform_indices = @transform_6, window_bounds = array<i64: 1, 64>}, {transform_indices = @transform_7, window_bounds = array<i64: 512, 64>}, {transform_indices = @transform_8, window_bounds = array<i64: 512>}, {transform_indices = @transform_9, window_bounds = array<i64: 512>}, {transform_indices = @transform_10, window_bounds = array<i64: 512>}, {transform_indices = @transform_11, window_bounds = array<i64: 512>}]} {
    %eq3A = arith.constant 0 : i32
    %eq3A_0 = arith.cmpi eq, %arg0, %eq3A : i32
    %convert_element_type3A = arith.extui %eq3A_0 : i1 to i32
    %cond3A = arith.constant 0 : i32
    %cond3A_1 = arith.cmpi ne, %convert_element_type3A, %cond3A : i32
    scf.if %cond3A_1 {
      %broadcast_in_dim3A_173 = arith.constant 0.000000e+00 : f32
      %broadcast_in_dim3A_174 = vector.broadcast %broadcast_in_dim3A_173 : f32 to vector<1x64xf32>
      %swap3A_175 = arith.constant 0 : index
      %swap3A_176 = arith.constant 0 : index
      %swap3A_177 = vector.load %arg13[%swap3A_175, %swap3A_176] : memref<1x64xf32, #tpu.memory_space<vmem>>, vector<1x64xf32>
      tpu.vector_store %arg13[%swap3A_175, %swap3A_176], %broadcast_in_dim3A_174 {strides = array<i32>} : memref<1x64xf32, #tpu.memory_space<vmem>>, vector<1x64xf32>,
    } else {
    }
    %get3A = arith.constant 0 : index
    %get3A_2 = arith.constant 0 : index
    %get3A_3 = vector.load %arg1[%get3A, %get3A_2] : memref<512x768xf32, #tpu.memory_space<vmem>>, vector<512x768xf32>
    %get3A_4 = arith.constant 0 : index
    %get3A_5 = arith.constant 0 : index
    %get3A_6 = vector.load %arg2[%get3A_4, %get3A_5] : memref<768x512xf32, #tpu.memory_space<vmem>>, vector<768x512xf32>
    %dot_general3A = arith.constant dense<0.000000e+00> : vector<512x512xf32>
    %dot_general3A_7 = tpu.matmul %get3A_3, %get3A_6, %dot_general3A {dimension_numbers = #tpu.dot_dimension_numbers<[1], [0], [0], [1], [0, 0, 1, 1], [], []>, transpose_lhs_hint = false} : vector<512x768xf32>, vector<768x512xf32>, vector<512x512xf32> -> vector<512x512xf32>
    %get3A_8 = arith.constant 0 : index
    %get3A_9 = arith.constant 0 : index
    %get3A_10 = vector.load %arg3[%get3A_8, %get3A_9] : memref<1x512xf32, #tpu.memory_space<vmem>>, vector<1x512xf32>
    %add3A = vector.broadcast %get3A_10 : vector<1x512xf32> to vector<512x512xf32>
    %add3A_11 = arith.addf %dot_general3A_7, %add3A : vector<512x512xf32>
    %reduce_sum3A = arith.constant dense<0.000000e+00> : vector<512xf32>
    %reduce_sum3A_12 = vector.multi_reduction <add>, %add3A_11, %reduce_sum3A [1] : vector<512x512xf32> to vector<512xf32>
    %broadcast_in_dim3A = vector.shape_cast %reduce_sum3A_12 : vector<512xf32> to vector<512x1xf32>
    %div3A = arith.constant 5.120000e+02 : f32
    %div3A_13 = vector.broadcast %div3A : f32 to vector<512x1xf32>
    %div3A_14 = arith.divf %broadcast_in_dim3A, %div3A_13 : vector<512x1xf32>
    %sub3A = vector.broadcast %div3A_14 : vector<512x1xf32> to vector<512x512xf32>
    %sub3A_15 = arith.subf %add3A_11, %sub3A : vector<512x512xf32>
    %sub3A_16 = vector.broadcast %div3A_14 : vector<512x1xf32> to vector<512x512xf32>
    %sub3A_17 = arith.subf %add3A_11, %sub3A_16 : vector<512x512xf32>
    %mul3A = arith.mulf %sub3A_15, %sub3A_17 : vector<512x512xf32>
    %reduce_sum3A_18 = arith.constant dense<0.000000e+00> : vector<512xf32>
    %reduce_sum3A_19 = vector.multi_reduction <add>, %mul3A, %reduce_sum3A_18 [1] : vector<512x512xf32> to vector<512xf32>
    %broadcast_in_dim3A_20 = vector.shape_cast %reduce_sum3A_19 : vector<512xf32> to vector<512x1xf32>
    %div3A_21 = arith.constant 5.120000e+02 : f32
    %div3A_22 = vector.broadcast %div3A_21 : f32 to vector<512x1xf32>
    %div3A_23 = arith.divf %broadcast_in_dim3A_20, %div3A_22 : vector<512x1xf32>
    %sub3A_24 = vector.broadcast %div3A_14 : vector<512x1xf32> to vector<512x512xf32>
    %sub3A_25 = arith.subf %add3A_11, %sub3A_24 : vector<512x512xf32>
    %add3A_26 = arith.constant 9.99999974E-6 : f32
    %add3A_27 = vector.broadcast %add3A_26 : f32 to vector<512x1xf32>
    %add3A_28 = arith.addf %div3A_23, %add3A_27 : vector<512x1xf32>
    %sqrt3A = math.sqrt %add3A_28 : vector<512x1xf32>
    %div3A_29 = vector.broadcast %sqrt3A : vector<512x1xf32> to vector<512x512xf32>
    %div3A_30 = arith.divf %sub3A_25, %div3A_29 : vector<512x512xf32>
    %get3A_31 = arith.constant 0 : index
    %get3A_32 = arith.constant 0 : index
    %get3A_33 = vector.load %arg4[%get3A_31, %get3A_32] : memref<1x512xf32, #tpu.memory_space<vmem>>, vector<1x512xf32>
    %mul3A_34 = vector.broadcast %get3A_33 : vector<1x512xf32> to vector<512x512xf32>
    %mul3A_35 = arith.mulf %div3A_30, %mul3A_34 : vector<512x512xf32>
    %get3A_36 = arith.constant 0 : index
    %get3A_37 = arith.constant 0 : index
    %get3A_38 = vector.load %arg5[%get3A_36, %get3A_37] : memref<1x512xf32, #tpu.memory_space<vmem>>, vector<1x512xf32>
    %add3A_39 = vector.broadcast %get3A_38 : vector<1x512xf32> to vector<512x512xf32>
    %add3A_40 = arith.addf %mul3A_35, %add3A_39 : vector<512x512xf32>
    %integer_pow3A = arith.mulf %add3A_40, %add3A_40 : vector<512x512xf32>
    %integer_pow3A_41 = arith.mulf %add3A_40, %integer_pow3A : vector<512x512xf32>
    %mul3A_42 = arith.constant 4.471500e-02 : f32
    %mul3A_43 = vector.broadcast %mul3A_42 : f32 to vector<512x512xf32>
    %mul3A_44 = arith.mulf %mul3A_43, %integer_pow3A_41 : vector<512x512xf32>
    %add3A_45 = arith.addf %add3A_40, %mul3A_44 : vector<512x512xf32>
    %mul3A_46 = arith.constant 0.797884583 : f32
    %mul3A_47 = vector.broadcast %mul3A_46 : f32 to vector<512x512xf32>
    %mul3A_48 = arith.mulf %mul3A_47, %add3A_45 : vector<512x512xf32>
    %tanh3A = math.tanh %mul3A_48 : vector<512x512xf32>
    %add3A_49 = arith.constant 1.000000e+00 : f32
    %add3A_50 = vector.broadcast %add3A_49 : f32 to vector<512x512xf32>
    %add3A_51 = arith.addf %add3A_50, %tanh3A : vector<512x512xf32>
    %mul3A_52 = arith.constant 5.000000e-01 : f32
    %mul3A_53 = vector.broadcast %mul3A_52 : f32 to vector<512x512xf32>
    %mul3A_54 = arith.mulf %mul3A_53, %add3A_51 : vector<512x512xf32>
    %mul3A_55 = arith.mulf %add3A_40, %mul3A_54 : vector<512x512xf32>
    %get3A_56 = arith.constant 0 : index
    %get3A_57 = arith.constant 0 : index
    %get3A_58 = vector.load %arg6[%get3A_56, %get3A_57] : memref<512x64xf32, #tpu.memory_space<vmem>>, vector<512x64xf32>
    %dot_general3A_59 = arith.constant dense<0.000000e+00> : vector<512x64xf32>
    %dot_general3A_60 = tpu.matmul %mul3A_55, %get3A_58, %dot_general3A_59 {dimension_numbers = #tpu.dot_dimension_numbers<[1], [0], [0], [1], [0, 0, 1, 1], [], []>, transpose_lhs_hint = false} : vector<512x512xf32>, vector<512x64xf32>, vector<512x64xf32> -> vector<512x64xf32>
    %get3A_61 = arith.constant 0 : index
    %get3A_62 = arith.constant 0 : index
    %get3A_63 = vector.load %arg7[%get3A_61, %get3A_62] : memref<1x64xf32, #tpu.memory_space<vmem>>, vector<1x64xf32>
    %add3A_64 = vector.broadcast %get3A_63 : vector<1x64xf32> to vector<512x64xf32>
    %add3A_65 = arith.addf %dot_general3A_60, %add3A_64 : vector<512x64xf32>
    %reduce_max3A = arith.constant dense<0xFF800000> : vector<512xf32>
    %reduce_max3A_66 = vector.multi_reduction <maximumf>, %add3A_65, %reduce_max3A [1] : vector<512x64xf32> to vector<512xf32>
    %broadcast_in_dim3A_67 = vector.shape_cast %reduce_max3A_66 : vector<512xf32> to vector<512x1xf32>
    %sub3A_68 = vector.broadcast %broadcast_in_dim3A_67 : vector<512x1xf32> to vector<512x64xf32>
    %sub3A_69 = arith.subf %add3A_65, %sub3A_68 : vector<512x64xf32>
    %exp3A = math.exp %sub3A_69 : vector<512x64xf32>
    %reduce_sum3A_70 = arith.constant dense<0.000000e+00> : vector<512xf32>
    %reduce_sum3A_71 = vector.multi_reduction <add>, %exp3A, %reduce_sum3A_70 [1] : vector<512x64xf32> to vector<512xf32>
    %broadcast_in_dim3A_72 = vector.shape_cast %reduce_sum3A_71 : vector<512xf32> to vector<512x1xf32>
    %div3A_73 = vector.broadcast %broadcast_in_dim3A_72 : vector<512x1xf32> to vector<512x64xf32>
    %div3A_74 = arith.divf %exp3A, %div3A_73 : vector<512x64xf32>
    %swap3A = arith.constant 0 : index
    %swap3A_75 = arith.constant 0 : index
    %swap3A_76 = vector.load %arg8[%swap3A, %swap3A_75] : memref<512x64xf32, #tpu.memory_space<vmem>>, vector<512x64xf32>
    tpu.vector_store %arg8[%swap3A, %swap3A_75], %div3A_74 {strides = array<i32>} : memref<512x64xf32, #tpu.memory_space<vmem>>, vector<512x64xf32>,
    %iota3A = tpu.iota {dimensions = array<i32: 1>} : vector<512x64xi32>
    %reduce_max3A_77 = arith.constant dense<0xFF800000> : vector<512xf32>
    %reduce_max3A_78 = vector.multi_reduction <maximumf>, %div3A_74, %reduce_max3A_77 [1] : vector<512x64xf32> to vector<512xf32>
    %broadcast_in_dim3A_79 = vector.shape_cast %reduce_max3A_78 : vector<512xf32> to vector<512x1xf32>
    %eq3A_80 = vector.broadcast %broadcast_in_dim3A_79 : vector<512x1xf32> to vector<512x64xf32>
    %eq3A_81 = arith.cmpf oeq, %div3A_74, %eq3A_80 : vector<512x64xf32>
    %jit3A = arith.constant 64 : i32
    %broadcast_in_dim3A_82 = vector.broadcast %jit3A : i32 to vector<512x64xi32>
    %select_n3A = arith.select %eq3A_81, %iota3A, %broadcast_in_dim3A_82 : vector<512x64xi1>, vector<512x64xi32>
    %reduce_min3A = arith.constant dense<2147483647> : vector<512xi32>
    %reduce_min3A_83 = vector.multi_reduction <minsi>, %select_n3A, %reduce_min3A [1] : vector<512x64xi32> to vector<512xi32>
    %broadcast_in_dim3A_84 = vector.shape_cast %reduce_min3A_83 : vector<512xi32> to vector<512x1xi32>
    %eq3A_85 = vector.broadcast %broadcast_in_dim3A_84 : vector<512x1xi32> to vector<512x64xi32>
    %eq3A_86 = arith.cmpi eq, %iota3A, %eq3A_85 : vector<512x64xi32>
    %jit3A_87 = arith.constant 0xFF800000 : f32
    %broadcast_in_dim3A_88 = vector.broadcast %jit3A_87 : f32 to vector<512x64xf32>
    %select_n3A_89 = arith.select %eq3A_86, %broadcast_in_dim3A_88, %div3A_74 : vector<512x64xi1>, vector<512x64xf32>
    %reduce_max3A_90 = arith.constant dense<0xFF800000> : vector<512xf32>
    %reduce_max3A_91 = vector.multi_reduction <maximumf>, %select_n3A_89, %reduce_max3A_90 [1] : vector<512x64xf32> to vector<512xf32>
    %broadcast_in_dim3A_92 = vector.shape_cast %reduce_max3A_91 : vector<512xf32> to vector<512x1xf32>
    %eq3A_93 = vector.broadcast %broadcast_in_dim3A_92 : vector<512x1xf32> to vector<512x64xf32>
    %eq3A_94 = arith.cmpf oeq, %select_n3A_89, %eq3A_93 : vector<512x64xf32>
    %jit3A_95 = arith.constant 64 : i32
    %broadcast_in_dim3A_96 = vector.broadcast %jit3A_95 : i32 to vector<512x64xi32>
    %select_n3A_97 = arith.select %eq3A_94, %iota3A, %broadcast_in_dim3A_96 : vector<512x64xi1>, vector<512x64xi32>
    %reduce_min3A_98 = arith.constant dense<2147483647> : vector<512xi32>
    %reduce_min3A_99 = vector.multi_reduction <minsi>, %select_n3A_97, %reduce_min3A_98 [1] : vector<512x64xi32> to vector<512xi32>
    %broadcast_in_dim3A_100 = vector.shape_cast %reduce_min3A_99 : vector<512xi32> to vector<512x1xi32>
    %eq3A_101 = vector.broadcast %broadcast_in_dim3A_84 : vector<512x1xi32> to vector<512x64xi32>
    %eq3A_102 = arith.cmpi eq, %iota3A, %eq3A_101 : vector<512x64xi32>
    %convert_element_type3A_103 = arith.extui %eq3A_102 : vector<512x64xi1> to vector<512x64xi32>
    %convert_element_type3A_104 = arith.sitofp %convert_element_type3A_103 : vector<512x64xi32> to vector<512x64xf32>
    %eq3A_105 = vector.broadcast %broadcast_in_dim3A_100 : vector<512x1xi32> to vector<512x64xi32>
    %eq3A_106 = arith.cmpi eq, %iota3A, %eq3A_105 : vector<512x64xi32>
    %convert_element_type3A_107 = arith.extui %eq3A_106 : vector<512x64xi1> to vector<512x64xi32>
    %convert_element_type3A_108 = arith.sitofp %convert_element_type3A_107 : vector<512x64xi32> to vector<512x64xf32>
    %add3A_109 = arith.addf %convert_element_type3A_104, %convert_element_type3A_108 : vector<512x64xf32>
    %iota3A_110 = tpu.iota {dimensions = array<i32: 0>} : vector<512x512xi32>
    %iota3A_111 = tpu.iota {dimensions = array<i32: 1>} : vector<512x512xi32>
    %lt3A = arith.cmpi slt, %iota3A_111, %iota3A_110 : vector<512x512xi32>
    %convert_element_type3A_112 = arith.extui %lt3A : vector<512x512xi1> to vector<512x512xi32>
    %convert_element_type3A_113 = arith.sitofp %convert_element_type3A_112 : vector<512x512xi32> to vector<512x512xf32>
    %dot_general3A_114 = arith.constant dense<0.000000e+00> : vector<512x64xf32>
    %dot_general3A_115 = tpu.matmul %convert_element_type3A_113, %add3A_109, %dot_general3A_114 {dimension_numbers = #tpu.dot_dimension_numbers<[1], [0], [0], [1], [0, 0, 1, 1], [], []>, transpose_lhs_hint = false} : vector<512x512xf32>, vector<512x64xf32>, vector<512x64xf32> -> vector<512x64xf32>
    %get3A_116 = arith.constant 0 : index
    %get3A_117 = arith.constant 0 : index
    %get3A_118 = vector.load %arg13[%get3A_116, %get3A_117] : memref<1x64xf32, #tpu.memory_space<vmem>>, vector<1x64xf32>
    %add3A_119 = vector.broadcast %get3A_118 : vector<1x64xf32> to vector<512x64xf32>
    %add3A_120 = arith.addf %dot_general3A_115, %add3A_119 : vector<512x64xf32>
    %mul3A_121 = arith.mulf %add3A_120, %convert_element_type3A_104 : vector<512x64xf32>
    %reduce_sum3A_122 = arith.constant dense<0.000000e+00> : vector<512xf32>
    %reduce_sum3A_123 = vector.multi_reduction <add>, %mul3A_121, %reduce_sum3A_122 [1] : vector<512x64xf32> to vector<512xf32>
    %mul3A_124 = arith.mulf %add3A_120, %convert_element_type3A_108 : vector<512x64xf32>
    %reduce_sum3A_125 = arith.constant dense<0.000000e+00> : vector<512xf32>
    %reduce_sum3A_126 = vector.multi_reduction <add>, %mul3A_124, %reduce_sum3A_125 [1] : vector<512x64xf32> to vector<512xf32>
    %reduce_sum3A_127 = arith.constant dense<0.000000e+00> : vector<64xf32>
    %reduce_sum3A_128 = vector.multi_reduction <add>, %add3A_109, %reduce_sum3A_127 [0] : vector<512x64xf32> to vector<64xf32>
    %broadcast_in_dim3A_129 = vector.shape_cast %reduce_sum3A_128 : vector<64xf32> to vector<1x64xf32>
    %add3A_130 = arith.addf %get3A_118, %broadcast_in_dim3A_129 : vector<1x64xf32>
    %swap3A_131 = arith.constant 0 : index
    %swap3A_132 = arith.constant 0 : index
    %swap3A_133 = vector.load %arg13[%swap3A_131, %swap3A_132] : memref<1x64xf32, #tpu.memory_space<vmem>>, vector<1x64xf32>
    tpu.vector_store %arg13[%swap3A_131, %swap3A_132], %add3A_130 {strides = array<i32>} : memref<1x64xf32, #tpu.memory_space<vmem>>, vector<1x64xf32>,
    %squeeze3A = vector.shape_cast %broadcast_in_dim3A_84 : vector<512x1xi32> to vector<512xi32>
    %squeeze3A_134 = vector.shape_cast %broadcast_in_dim3A_100 : vector<512x1xi32> to vector<512xi32>
    %squeeze3A_135 = vector.shape_cast %broadcast_in_dim3A_79 : vector<512x1xf32> to vector<512xf32>
    %squeeze3A_136 = vector.shape_cast %broadcast_in_dim3A_92 : vector<512x1xf32> to vector<512xf32>
    %lt3A_137 = arith.constant 2.560000e+02 : f32
    %lt3A_138 = vector.broadcast %lt3A_137 : f32 to vector<512xf32>
    %lt3A_139 = arith.cmpf olt, %reduce_sum3A_123, %lt3A_138 : vector<512xf32>
    %lt3A_140 = arith.constant 2.560000e+02 : f32
    %lt3A_141 = vector.broadcast %lt3A_140 : f32 to vector<512xf32>
    %lt3A_142 = arith.cmpf olt, %reduce_sum3A_126, %lt3A_141 : vector<512xf32>
    %convert_element_type3A_143 = arith.fptosi %reduce_sum3A_123 : vector<512xf32> to vector<512xi32>
    %convert_element_type3A_144 = arith.fptosi %reduce_sum3A_126 : vector<512xf32> to vector<512xi32>
    %mul3A_145 = arith.constant 256 : i32
    %mul3A_146 = vector.broadcast %mul3A_145 : i32 to vector<512xi32>
    %mul3A_147 = arith.muli %squeeze3A, %mul3A_146 : vector<512xi32>
    %add3A_148 = arith.addi %mul3A_147, %convert_element_type3A_143 : vector<512xi32>
    %jit3A_149 = arith.constant 16384 : i32
    %broadcast_in_dim3A_150 = vector.broadcast %jit3A_149 : i32 to vector<512xi32>
    %select_n3A_151 = arith.select %lt3A_139, %add3A_148, %broadcast_in_dim3A_150 : vector<512xi1>, vector<512xi32>
    %swap3A_152 = arith.constant 0 : index
    %swap3A_153 = vector.load %arg9[%swap3A_152] : memref<512xi32, #tpu.memory_space<vmem>>, vector<512xi32>
    tpu.vector_store %arg9[%swap3A_152], %select_n3A_151 {strides = array<i32>} : memref<512xi32, #tpu.memory_space<vmem>>, vector<512xi32>,
    %mul3A_154 = arith.constant 256 : i32
    %mul3A_155 = vector.broadcast %mul3A_154 : i32 to vector<512xi32>
    %mul3A_156 = arith.muli %squeeze3A_134, %mul3A_155 : vector<512xi32>
    %add3A_157 = arith.addi %mul3A_156, %convert_element_type3A_144 : vector<512xi32>
    %jit3A_158 = arith.constant 16384 : i32
    %broadcast_in_dim3A_159 = vector.broadcast %jit3A_158 : i32 to vector<512xi32>
    %select_n3A_160 = arith.select %lt3A_142, %add3A_157, %broadcast_in_dim3A_159 : vector<512xi1>, vector<512xi32>
    %swap3A_161 = arith.constant 0 : index
    %swap3A_162 = vector.load %arg10[%swap3A_161] : memref<512xi32, #tpu.memory_space<vmem>>, vector<512xi32>
    tpu.vector_store %arg10[%swap3A_161], %select_n3A_160 {strides = array<i32>} : memref<512xi32, #tpu.memory_space<vmem>>, vector<512xi32>,
    %jit3A_163 = arith.constant 0.000000e+00 : f32
    %broadcast_in_dim3A_164 = vector.broadcast %jit3A_163 : f32 to vector<512xf32>
    %select_n3A_165 = arith.select %lt3A_139, %squeeze3A_135, %broadcast_in_dim3A_164 : vector<512xi1>, vector<512xf32>
    %swap3A_166 = arith.constant 0 : index
    %swap3A_167 = vector.load %arg11[%swap3A_166] : memref<512xf32, #tpu.memory_space<vmem>>, vector<512xf32>
    tpu.vector_store %arg11[%swap3A_166], %select_n3A_165 {strides = array<i32>} : memref<512xf32, #tpu.memory_space<vmem>>, vector<512xf32>,
    %jit3A_168 = arith.constant 0.000000e+00 : f32
    %broadcast_in_dim3A_169 = vector.broadcast %jit3A_168 : f32 to vector<512xf32>
    %select_n3A_170 = arith.select %lt3A_142, %squeeze3A_136, %broadcast_in_dim3A_169 : vector<512xi1>, vector<512xf32>
    %swap3A_171 = arith.constant 0 : index
    %swap3A_172 = vector.load %arg12[%swap3A_171] : memref<512xf32, #tpu.memory_space<vmem>>, vector<512xf32>
    tpu.vector_store %arg12[%swap3A_171], %select_n3A_170 {strides = array<i32>} : memref<512xf32, #tpu.memory_space<vmem>>, vector<512xf32>,
    return
  }
  func.func @transform_0(%arg0: i32) -> (i32, i32) {
    %c0_i32 = arith.constant 0 : i32
    %c0_i32_0 = arith.constant 0 : i32
    return %arg0, %c0_i32 : i32, i32
  }
  func.func @transform_1(%arg0: i32) -> (i32, i32) {
    %c0_i32 = arith.constant 0 : i32
    %c0_i32_0 = arith.constant 0 : i32
    %c0_i32_1 = arith.constant 0 : i32
    return %c0_i32, %c0_i32_0 : i32, i32
  }
  func.func @transform_2(%arg0: i32) -> (i32, i32) {
    %c0_i32 = arith.constant 0 : i32
    %c0_i32_0 = arith.constant 0 : i32
    %c0_i32_1 = arith.constant 0 : i32
    return %c0_i32, %c0_i32_0 : i32, i32
  }
  func.func @transform_3(%arg0: i32) -> (i32, i32) {
    %c0_i32 = arith.constant 0 : i32
    %c0_i32_0 = arith.constant 0 : i32
    %c0_i32_1 = arith.constant 0 : i32
    return %c0_i32, %c0_i32_0 : i32, i32
  }
  func.func @transform_4(%arg0: i32) -> (i32, i32) {
    %c0_i32 = arith.constant 0 : i32
    %c0_i32_0 = arith.constant 0 : i32
    %c0_i32_1 = arith.constant 0 : i32
    return %c0_i32, %c0_i32_0 : i32, i32
  }
  func.func @transform_5(%arg0: i32) -> (i32, i32) {
    %c0_i32 = arith.constant 0 : i32
    %c0_i32_0 = arith.constant 0 : i32
    %c0_i32_1 = arith.constant 0 : i32
    return %c0_i32, %c0_i32_0 : i32, i32
  }
  func.func @transform_6(%arg0: i32) -> (i32, i32) {
    %c0_i32 = arith.constant 0 : i32
    %c0_i32_0 = arith.constant 0 : i32
    %c0_i32_1 = arith.constant 0 : i32
    return %c0_i32, %c0_i32_0 : i32, i32
  }
  func.func @transform_7(%arg0: i32) -> (i32, i32) {
    %c0_i32 = arith.constant 0 : i32
    %c0_i32_0 = arith.constant 0 : i32
    return %arg0, %c0_i32 : i32, i32
  }
  func.func @transform_8(%arg0: i32) -> i32 {
    %c0_i32 = arith.constant 0 : i32
    return %arg0 : i32
  }
  func.func @transform_9(%arg0: i32) -> i32 {
    %c0_i32 = arith.constant 0 : i32
    return %arg0 : i32
  }
  func.func @transform_10(%arg0: i32) -> i32 {
    %c0_i32 = arith.constant 0 : i32
    return %arg0 : i32
  }
  func.func @transform_11(%arg0: i32) -> i32 {
    %c0_i32 = arith.constant 0 : i32
    return %arg0 : i32
  }
}

module attributes {stable_mosaic.version = 14 : i64} {
  func.func @_einsum_body(%arg0: i32, %arg1: memref<1024x768xf32, #tpu.memory_space<vmem>>, %arg2: memref<4x768x768xf32, #tpu.memory_space<vmem>>, %arg3: memref<4x1x768xf32, #tpu.memory_space<vmem>>, %arg4: memref<1024x768xf32, #tpu.memory_space<vmem>>) attributes {dimension_semantics = [#tpu.dimension_semantics<arbitrary>], iteration_bounds = array<i64: 17>, scalar_prefetch = 0 : i64, scratch_operands = 0 : i64, tpu.core_type = #tpu.core_type<tc>, window_params = [{transform_indices = @transform_0, window_bounds = array<i64: 1024, 768>}, {transform_indices = @transform_1, window_bounds = array<i64: 4, 768, 768>}, {transform_indices = @transform_2, window_bounds = array<i64: 4, 1, 768>}, {transform_indices = @transform_3, window_bounds = array<i64: 1024, 768>}]} {
    %get3A = arith.constant 0 : index
    %get3A_0 = arith.constant 0 : index
    %get3A_1 = vector.load %arg1[%get3A, %get3A_0] : memref<1024x768xf32, #tpu.memory_space<vmem>>, vector<256x768xf32>
    %get3A_2 = arith.constant 0 : index
    %get3A_3 = arith.constant 0 : index
    %get3A_4 = arith.constant 0 : index
    %get3A_5 = vector.load %arg2[%get3A_2, %get3A_3, %get3A_4] : memref<4x768x768xf32, #tpu.memory_space<vmem>>, vector<1x768x768xf32>
    %get3A_6 = vector.shape_cast %get3A_5 : vector<1x768x768xf32> to vector<768x768xf32>
    %dot_general3A = arith.constant dense<0.000000e+00> : vector<256x768xf32>
    %dot_general3A_7 = tpu.matmul %get3A_1, %get3A_6, %dot_general3A {dimension_numbers = #tpu.dot_dimension_numbers<[1], [0], [0], [1], [0, 0, 1, 1], [], []>, transpose_lhs_hint = false} : vector<256x768xf32>, vector<768x768xf32>, vector<256x768xf32> -> vector<256x768xf32>
    %get3A_8 = arith.constant 0 : index
    %get3A_9 = arith.constant 0 : index
    %get3A_10 = arith.constant 0 : index
    %get3A_11 = vector.load %arg3[%get3A_8, %get3A_9, %get3A_10] : memref<4x1x768xf32, #tpu.memory_space<vmem>>, vector<1x1x768xf32>
    %get3A_12 = vector.shape_cast %get3A_11 : vector<1x1x768xf32> to vector<1x768xf32>
    %add3A = vector.broadcast %get3A_12 : vector<1x768xf32> to vector<256x768xf32>
    %add3A_13 = arith.addf %dot_general3A_7, %add3A : vector<256x768xf32>
    %swap3A = arith.constant 0 : index
    %swap3A_14 = arith.constant 0 : index
    %swap3A_15 = vector.load %arg4[%swap3A, %swap3A_14] : memref<1024x768xf32, #tpu.memory_space<vmem>>, vector<256x768xf32>
    tpu.vector_store %arg4[%swap3A, %swap3A_14], %add3A_13 {strides = array<i32>} : memref<1024x768xf32, #tpu.memory_space<vmem>>, vector<256x768xf32>,
    %get3A_16 = arith.constant 256 : index
    %get3A_17 = arith.constant 0 : index
    %get3A_18 = vector.load %arg1[%get3A_16, %get3A_17] : memref<1024x768xf32, #tpu.memory_space<vmem>>, vector<256x768xf32>
    %get3A_19 = arith.constant 1 : index
    %get3A_20 = arith.constant 0 : index
    %get3A_21 = arith.constant 0 : index
    %get3A_22 = vector.load %arg2[%get3A_19, %get3A_20, %get3A_21] : memref<4x768x768xf32, #tpu.memory_space<vmem>>, vector<1x768x768xf32>
    %get3A_23 = vector.shape_cast %get3A_22 : vector<1x768x768xf32> to vector<768x768xf32>
    %dot_general3A_24 = arith.constant dense<0.000000e+00> : vector<256x768xf32>
    %dot_general3A_25 = tpu.matmul %get3A_18, %get3A_23, %dot_general3A_24 {dimension_numbers = #tpu.dot_dimension_numbers<[1], [0], [0], [1], [0, 0, 1, 1], [], []>, transpose_lhs_hint = false} : vector<256x768xf32>, vector<768x768xf32>, vector<256x768xf32> -> vector<256x768xf32>
    %get3A_26 = arith.constant 1 : index
    %get3A_27 = arith.constant 0 : index
    %get3A_28 = arith.constant 0 : index
    %get3A_29 = vector.load %arg3[%get3A_26, %get3A_27, %get3A_28] : memref<4x1x768xf32, #tpu.memory_space<vmem>>, vector<1x1x768xf32>
    %get3A_30 = vector.shape_cast %get3A_29 : vector<1x1x768xf32> to vector<1x768xf32>
    %add3A_31 = vector.broadcast %get3A_30 : vector<1x768xf32> to vector<256x768xf32>
    %add3A_32 = arith.addf %dot_general3A_25, %add3A_31 : vector<256x768xf32>
    %swap3A_33 = arith.constant 256 : index
    %swap3A_34 = arith.constant 0 : index
    %swap3A_35 = vector.load %arg4[%swap3A_33, %swap3A_34] : memref<1024x768xf32, #tpu.memory_space<vmem>>, vector<256x768xf32>
    tpu.vector_store %arg4[%swap3A_33, %swap3A_34], %add3A_32 {strides = array<i32>} : memref<1024x768xf32, #tpu.memory_space<vmem>>, vector<256x768xf32>,
    %get3A_36 = arith.constant 512 : index
    %get3A_37 = arith.constant 0 : index
    %get3A_38 = vector.load %arg1[%get3A_36, %get3A_37] : memref<1024x768xf32, #tpu.memory_space<vmem>>, vector<256x768xf32>
    %get3A_39 = arith.constant 2 : index
    %get3A_40 = arith.constant 0 : index
    %get3A_41 = arith.constant 0 : index
    %get3A_42 = vector.load %arg2[%get3A_39, %get3A_40, %get3A_41] : memref<4x768x768xf32, #tpu.memory_space<vmem>>, vector<1x768x768xf32>
    %get3A_43 = vector.shape_cast %get3A_42 : vector<1x768x768xf32> to vector<768x768xf32>
    %dot_general3A_44 = arith.constant dense<0.000000e+00> : vector<256x768xf32>
    %dot_general3A_45 = tpu.matmul %get3A_38, %get3A_43, %dot_general3A_44 {dimension_numbers = #tpu.dot_dimension_numbers<[1], [0], [0], [1], [0, 0, 1, 1], [], []>, transpose_lhs_hint = false} : vector<256x768xf32>, vector<768x768xf32>, vector<256x768xf32> -> vector<256x768xf32>
    %get3A_46 = arith.constant 2 : index
    %get3A_47 = arith.constant 0 : index
    %get3A_48 = arith.constant 0 : index
    %get3A_49 = vector.load %arg3[%get3A_46, %get3A_47, %get3A_48] : memref<4x1x768xf32, #tpu.memory_space<vmem>>, vector<1x1x768xf32>
    %get3A_50 = vector.shape_cast %get3A_49 : vector<1x1x768xf32> to vector<1x768xf32>
    %add3A_51 = vector.broadcast %get3A_50 : vector<1x768xf32> to vector<256x768xf32>
    %add3A_52 = arith.addf %dot_general3A_45, %add3A_51 : vector<256x768xf32>
    %swap3A_53 = arith.constant 512 : index
    %swap3A_54 = arith.constant 0 : index
    %swap3A_55 = vector.load %arg4[%swap3A_53, %swap3A_54] : memref<1024x768xf32, #tpu.memory_space<vmem>>, vector<256x768xf32>
    tpu.vector_store %arg4[%swap3A_53, %swap3A_54], %add3A_52 {strides = array<i32>} : memref<1024x768xf32, #tpu.memory_space<vmem>>, vector<256x768xf32>,
    %get3A_56 = arith.constant 768 : index
    %get3A_57 = arith.constant 0 : index
    %get3A_58 = vector.load %arg1[%get3A_56, %get3A_57] : memref<1024x768xf32, #tpu.memory_space<vmem>>, vector<256x768xf32>
    %get3A_59 = arith.constant 3 : index
    %get3A_60 = arith.constant 0 : index
    %get3A_61 = arith.constant 0 : index
    %get3A_62 = vector.load %arg2[%get3A_59, %get3A_60, %get3A_61] : memref<4x768x768xf32, #tpu.memory_space<vmem>>, vector<1x768x768xf32>
    %get3A_63 = vector.shape_cast %get3A_62 : vector<1x768x768xf32> to vector<768x768xf32>
    %dot_general3A_64 = arith.constant dense<0.000000e+00> : vector<256x768xf32>
    %dot_general3A_65 = tpu.matmul %get3A_58, %get3A_63, %dot_general3A_64 {dimension_numbers = #tpu.dot_dimension_numbers<[1], [0], [0], [1], [0, 0, 1, 1], [], []>, transpose_lhs_hint = false} : vector<256x768xf32>, vector<768x768xf32>, vector<256x768xf32> -> vector<256x768xf32>
    %get3A_66 = arith.constant 3 : index
    %get3A_67 = arith.constant 0 : index
    %get3A_68 = arith.constant 0 : index
    %get3A_69 = vector.load %arg3[%get3A_66, %get3A_67, %get3A_68] : memref<4x1x768xf32, #tpu.memory_space<vmem>>, vector<1x1x768xf32>
    %get3A_70 = vector.shape_cast %get3A_69 : vector<1x1x768xf32> to vector<1x768xf32>
    %add3A_71 = vector.broadcast %get3A_70 : vector<1x768xf32> to vector<256x768xf32>
    %add3A_72 = arith.addf %dot_general3A_65, %add3A_71 : vector<256x768xf32>
    %swap3A_73 = arith.constant 768 : index
    %swap3A_74 = arith.constant 0 : index
    %swap3A_75 = vector.load %arg4[%swap3A_73, %swap3A_74] : memref<1024x768xf32, #tpu.memory_space<vmem>>, vector<256x768xf32>
    tpu.vector_store %arg4[%swap3A_73, %swap3A_74], %add3A_72 {strides = array<i32>} : memref<1024x768xf32, #tpu.memory_space<vmem>>, vector<256x768xf32>,
    return
  }
  func.func @transform_0(%arg0: i32) -> (i32, i32) {
    %c0_i32 = arith.constant 0 : i32
    %c0_i32_0 = arith.constant 0 : i32
    return %arg0, %c0_i32 : i32, i32
  }
  func.func @transform_1(%arg0: i32) -> (i32, i32, i32) {
    %min3A = arith.constant 15 : i32
    %min3A_0 = arith.minsi %arg0, %min3A : i32
    %c0_i32 = arith.constant 0 : i32
    %c0_i32_1 = arith.constant 0 : i32
    %c0_i32_2 = arith.constant 0 : i32
    return %min3A_0, %c0_i32, %c0_i32_1 : i32, i32, i32
  }
  func.func @transform_2(%arg0: i32) -> (i32, i32, i32) {
    %min3A = arith.constant 15 : i32
    %min3A_0 = arith.minsi %arg0, %min3A : i32
    %c0_i32 = arith.constant 0 : i32
    %c0_i32_1 = arith.constant 0 : i32
    %c0_i32_2 = arith.constant 0 : i32
    return %min3A_0, %c0_i32, %c0_i32_1 : i32, i32, i32
  }
  func.func @transform_3(%arg0: i32) -> (i32, i32) {
    %c0_i32 = arith.constant 0 : i32
    %c0_i32_0 = arith.constant 0 : i32
    return %arg0, %c0_i32 : i32, i32
  }
}

module attributes {stable_mosaic.version = 14 : i64} {
  func.func @_classifier_body(%arg0: i32, %arg1: memref<512x768xf32, #tpu.memory_space<vmem>>, %arg2: memref<768x512xf32, #tpu.memory_space<vmem>>, %arg3: memref<1x512xf32, #tpu.memory_space<vmem>>, %arg4: memref<1x512xf32, #tpu.memory_space<vmem>>, %arg5: memref<1x512xf32, #tpu.memory_space<vmem>>, %arg6: memref<512x128xf32, #tpu.memory_space<vmem>>, %arg7: memref<1x128xf32, #tpu.memory_space<vmem>>, %arg8: memref<512x128xf32, #tpu.memory_space<vmem>>) attributes {dimension_semantics = [#tpu.dimension_semantics<arbitrary>], iteration_bounds = array<i64: 8>, scalar_prefetch = 0 : i64, scratch_operands = 0 : i64, tpu.core_type = #tpu.core_type<tc>, window_params = [{transform_indices = @transform_0, window_bounds = array<i64: 512, 768>}, {pipeline_mode = #tpu.pipeline_mode<synchronous>, transform_indices = @transform_1, window_bounds = array<i64: 768, 512>}, {pipeline_mode = #tpu.pipeline_mode<synchronous>, transform_indices = @transform_2, window_bounds = array<i64: 1, 512>}, {pipeline_mode = #tpu.pipeline_mode<synchronous>, transform_indices = @transform_3, window_bounds = array<i64: 1, 512>}, {pipeline_mode = #tpu.pipeline_mode<synchronous>, transform_indices = @transform_4, window_bounds = array<i64: 1, 512>}, {pipeline_mode = #tpu.pipeline_mode<synchronous>, transform_indices = @transform_5, window_bounds = array<i64: 512, 128>}, {pipeline_mode = #tpu.pipeline_mode<synchronous>, transform_indices = @transform_6, window_bounds = array<i64: 1, 128>}, {transform_indices = @transform_7, window_bounds = array<i64: 512, 128>}]} {
    %get3A = arith.constant 0 : index
    %get3A_0 = arith.constant 0 : index
    %get3A_1 = vector.load %arg1[%get3A, %get3A_0] : memref<512x768xf32, #tpu.memory_space<vmem>>, vector<512x768xf32>
    %get3A_2 = arith.constant 0 : index
    %get3A_3 = arith.constant 0 : index
    %get3A_4 = vector.load %arg2[%get3A_2, %get3A_3] : memref<768x512xf32, #tpu.memory_space<vmem>>, vector<768x512xf32>
    %dot_general3A = arith.constant dense<0.000000e+00> : vector<512x512xf32>
    %dot_general3A_5 = tpu.matmul %get3A_1, %get3A_4, %dot_general3A {dimension_numbers = #tpu.dot_dimension_numbers<[1], [0], [0], [1], [0, 0, 1, 1], [], []>, transpose_lhs_hint = false} : vector<512x768xf32>, vector<768x512xf32>, vector<512x512xf32> -> vector<512x512xf32>
    %get3A_6 = arith.constant 0 : index
    %get3A_7 = arith.constant 0 : index
    %get3A_8 = vector.load %arg3[%get3A_6, %get3A_7] : memref<1x512xf32, #tpu.memory_space<vmem>>, vector<1x512xf32>
    %add3A = vector.broadcast %get3A_8 : vector<1x512xf32> to vector<512x512xf32>
    %add3A_9 = arith.addf %dot_general3A_5, %add3A : vector<512x512xf32>
    %reduce_sum3A = arith.constant dense<0.000000e+00> : vector<512xf32>
    %reduce_sum3A_10 = vector.multi_reduction <add>, %add3A_9, %reduce_sum3A [1] : vector<512x512xf32> to vector<512xf32>
    %broadcast_in_dim3A = vector.shape_cast %reduce_sum3A_10 : vector<512xf32> to vector<512x1xf32>
    %div3A = arith.constant 5.120000e+02 : f32
    %div3A_11 = vector.broadcast %div3A : f32 to vector<512x1xf32>
    %div3A_12 = arith.divf %broadcast_in_dim3A, %div3A_11 : vector<512x1xf32>
    %sub3A = vector.broadcast %div3A_12 : vector<512x1xf32> to vector<512x512xf32>
    %sub3A_13 = arith.subf %add3A_9, %sub3A : vector<512x512xf32>
    %sub3A_14 = vector.broadcast %div3A_12 : vector<512x1xf32> to vector<512x512xf32>
    %sub3A_15 = arith.subf %add3A_9, %sub3A_14 : vector<512x512xf32>
    %mul3A = arith.mulf %sub3A_13, %sub3A_15 : vector<512x512xf32>
    %reduce_sum3A_16 = arith.constant dense<0.000000e+00> : vector<512xf32>
    %reduce_sum3A_17 = vector.multi_reduction <add>, %mul3A, %reduce_sum3A_16 [1] : vector<512x512xf32> to vector<512xf32>
    %broadcast_in_dim3A_18 = vector.shape_cast %reduce_sum3A_17 : vector<512xf32> to vector<512x1xf32>
    %div3A_19 = arith.constant 5.120000e+02 : f32
    %div3A_20 = vector.broadcast %div3A_19 : f32 to vector<512x1xf32>
    %div3A_21 = arith.divf %broadcast_in_dim3A_18, %div3A_20 : vector<512x1xf32>
    %sub3A_22 = vector.broadcast %div3A_12 : vector<512x1xf32> to vector<512x512xf32>
    %sub3A_23 = arith.subf %add3A_9, %sub3A_22 : vector<512x512xf32>
    %add3A_24 = arith.constant 9.99999974E-6 : f32
    %add3A_25 = vector.broadcast %add3A_24 : f32 to vector<512x1xf32>
    %add3A_26 = arith.addf %div3A_21, %add3A_25 : vector<512x1xf32>
    %sqrt3A = math.sqrt %add3A_26 : vector<512x1xf32>
    %div3A_27 = vector.broadcast %sqrt3A : vector<512x1xf32> to vector<512x512xf32>
    %div3A_28 = arith.divf %sub3A_23, %div3A_27 : vector<512x512xf32>
    %get3A_29 = arith.constant 0 : index
    %get3A_30 = arith.constant 0 : index
    %get3A_31 = vector.load %arg4[%get3A_29, %get3A_30] : memref<1x512xf32, #tpu.memory_space<vmem>>, vector<1x512xf32>
    %mul3A_32 = vector.broadcast %get3A_31 : vector<1x512xf32> to vector<512x512xf32>
    %mul3A_33 = arith.mulf %div3A_28, %mul3A_32 : vector<512x512xf32>
    %get3A_34 = arith.constant 0 : index
    %get3A_35 = arith.constant 0 : index
    %get3A_36 = vector.load %arg5[%get3A_34, %get3A_35] : memref<1x512xf32, #tpu.memory_space<vmem>>, vector<1x512xf32>
    %add3A_37 = vector.broadcast %get3A_36 : vector<1x512xf32> to vector<512x512xf32>
    %add3A_38 = arith.addf %mul3A_33, %add3A_37 : vector<512x512xf32>
    %max3A = arith.constant 0.000000e+00 : f32
    %max3A_39 = vector.broadcast %max3A : f32 to vector<512x512xf32>
    %max3A_40 = arith.maximumf %add3A_38, %max3A_39 : vector<512x512xf32>
    %get3A_41 = arith.constant 0 : index
    %get3A_42 = arith.constant 0 : index
    %get3A_43 = vector.load %arg6[%get3A_41, %get3A_42] : memref<512x128xf32, #tpu.memory_space<vmem>>, vector<512x128xf32>
    %dot_general3A_44 = arith.constant dense<0.000000e+00> : vector<512x128xf32>
    %dot_general3A_45 = tpu.matmul %max3A_40, %get3A_43, %dot_general3A_44 {dimension_numbers = #tpu.dot_dimension_numbers<[1], [0], [0], [1], [0, 0, 1, 1], [], []>, transpose_lhs_hint = false} : vector<512x512xf32>, vector<512x128xf32>, vector<512x128xf32> -> vector<512x128xf32>
    %get3A_46 = arith.constant 0 : index
    %get3A_47 = arith.constant 0 : index
    %get3A_48 = vector.load %arg7[%get3A_46, %get3A_47] : memref<1x128xf32, #tpu.memory_space<vmem>>, vector<1x128xf32>
    %add3A_49 = vector.broadcast %get3A_48 : vector<1x128xf32> to vector<512x128xf32>
    %add3A_50 = arith.addf %dot_general3A_45, %add3A_49 : vector<512x128xf32>
    %swap3A = arith.constant 0 : index
    %swap3A_51 = arith.constant 0 : index
    %swap3A_52 = vector.load %arg8[%swap3A, %swap3A_51] : memref<512x128xf32, #tpu.memory_space<vmem>>, vector<512x128xf32>
    tpu.vector_store %arg8[%swap3A, %swap3A_51], %add3A_50 {strides = array<i32>} : memref<512x128xf32, #tpu.memory_space<vmem>>, vector<512x128xf32>,
    return
  }
  func.func @transform_0(%arg0: i32) -> (i32, i32) {
    %c0_i32 = arith.constant 0 : i32
    %c0_i32_0 = arith.constant 0 : i32
    return %arg0, %c0_i32 : i32, i32
  }
  func.func @transform_1(%arg0: i32) -> (i32, i32) {
    %c0_i32 = arith.constant 0 : i32
    %c0_i32_0 = arith.constant 0 : i32
    %c0_i32_1 = arith.constant 0 : i32
    return %c0_i32, %c0_i32_0 : i32, i32
  }
  func.func @transform_2(%arg0: i32) -> (i32, i32) {
    %c0_i32 = arith.constant 0 : i32
    %c0_i32_0 = arith.constant 0 : i32
    %c0_i32_1 = arith.constant 0 : i32
    return %c0_i32, %c0_i32_0 : i32, i32
  }
  func.func @transform_3(%arg0: i32) -> (i32, i32) {
    %c0_i32 = arith.constant 0 : i32
    %c0_i32_0 = arith.constant 0 : i32
    %c0_i32_1 = arith.constant 0 : i32
    return %c0_i32, %c0_i32_0 : i32, i32
  }
  func.func @transform_4(%arg0: i32) -> (i32, i32) {
    %c0_i32 = arith.constant 0 : i32
    %c0_i32_0 = arith.constant 0 : i32
    %c0_i32_1 = arith.constant 0 : i32
    return %c0_i32, %c0_i32_0 : i32, i32
  }
  func.func @transform_5(%arg0: i32) -> (i32, i32) {
    %c0_i32 = arith.constant 0 : i32
    %c0_i32_0 = arith.constant 0 : i32
    %c0_i32_1 = arith.constant 0 : i32
    return %c0_i32, %c0_i32_0 : i32, i32
  }
  func.func @transform_6(%arg0: i32) -> (i32, i32) {
    %c0_i32 = arith.constant 0 : i32
    %c0_i32_0 = arith.constant 0 : i32
    %c0_i32_1 = arith.constant 0 : i32
    return %c0_i32, %c0_i32_0 : i32, i32
  }
  func.func @transform_7(%arg0: i32) -> (i32, i32) {
    %c0_i32 = arith.constant 0 : i32
    %c0_i32_0 = arith.constant 0 : i32
    return %arg0, %c0_i32 : i32, i32
  }
}

</mosaic_0001>

<sc_bundles>
// kernel: kernel.10.cloned.1.call-start
scs
__scs_entry_jumppad:
0x0: {  	(pc) =	sbr.rel $0x88, $3  }
0x1: {  	(tag) =	ssettag $0x0;
	lr =	simm.s32 $0x1  }
0x2: {  	[smem:$0x3F92] =	sst lr;
	_ =	strace $0xD0000000  }
0x3: {  	_ = 	snop  }
0x4: {  	_ = 	snop  }
0x5: {  	_ = 	snop  }
0x6: {  	_ = 	snop  }
0x7: {  	_ = 	snop  }
__scs_overlays_trampoline_lowered:
0x8: {  	[smem:$0x3FA1] =	sst s0  }
0x9: {  	[smem:$0x3FA2] =	sst s1  }
0xa: {  	[smem:$0x3FA3] =	sst s2  }
0xb: {  	[smem:$0x3FA4] =	sst s3  }
0xc: {  	[smem:$0x3FA5] =	sst s4  }
0xd: {  	[smem:$0x3FA6] =	sst s5  }
0xe: {  	[smem:$0x3FA7] =	sst s6  }
0xf: {  	[smem:$0x3FA8] =	sst s7  }
0x10: {  	[smem:$0x3FA9] =	sst s8  }
0x11: {  	[smem:$0x3FAA] =	sst s9;
	s0 =	simm.s32 @!p0 $0x0  }
0x12: {  	s1 =	sld [smem:$0x3F90];
	s0 =	simm.s32 @p0 $0x1  }
0x13: {  	[smem:$0x3FAB] =	sst s0;
	s0 =	simm.s32 @!p1 $0x0  }
0x14: {  	s2 =	sld [smem:$0x3F8F];
	s0 =	simm.s32 @p1 $0x1  }
0x15: {  	[smem:$0x3FAC] =	sst s0;
	s0 =	simm.s32 @!p2 $0x0  }
0x16: {  	s3 =	sld [smem:$0x3FDB];
	s0 =	simm.s32 @p2 $0x1  }
0x17: {  	s4 =	simm.s32 $0x1BF5;
	[smem:$0x3FAE] =	sst s0  }
0x18: {  	s0 =	sld [smem:$0x3F91];
	_ =	swait.ge [sflag:s4], $0x0  }
0x19: {  	s7 =	sld [smem:$0x3F92]  }
0x1a: {  	s8 =	sadd.s32 $0xFFFFE003, lr  }
0x1b: {  	s9 =	sadd.s32 $0xFFFFFEF7, lr;
	s5 =	simm.s32 $0xFFFFFFFF;
	p2 =	slt.u32 s8, $0xFFFFF086  }
0x1c: {  	p1 =	slt.u32 s9, $0xF7A;
	s5 =	simm.s32 @!p2 $0x0  }
0x1d: {  	s5 =	simm.s32 @p1 $0x1;
	p0 =	seq.s32 s7, s2  }
0x1e: {  	s7 =	smul.u32 @!p0 $0xF7A, s2;
	p2 =	seq.s32 @!p0 s5, $0x0  }
0x1f: {  	s9 =	smul.u32 $0xF7A, s1;
	s8 =	simm.s32 @!p0 $0x1BF5;
	p2 =	por !p2, p0  }
0x20: {  	[sflag:s8] =	ssyncset.s32 @!p0 $0xFFFFF086;
	s6 =	sadd.s32 @!p0 s3, s7;
	s7 =	simm.s32 @!p0 $0x108  }
0x21: {  	s3 =	sadd.s32 s3, s9;
	s6 =	sadd.s32 @!p0 $0x88, s6;
	s7 =	simm.s32 @p2 $0x1082  }
0x22: {  	[simem:s7], [sflag:s8] =	dma.local @!p0 [hbm:s6], $0xF7A  }
0x23: {  	s9 =	sor.u32 $0xD0000000, s2;
	s6 =	simm.s32 $0x108;
	_ =	swait.ge @!p0 [sflag:s8], $0x0  }
0x24: {  	s3 =	sadd.s32 $0x88, s3;
	s6 =	simm.s32 @!p1 $0x1082;
	[sflag:s4] =	ssyncset.s32 $0xFFFFF086  }
0x25: {  	[simem:s6], [sflag:s4] =	dma.local [hbm:s3], $0xF7A  }
0x26: {  	[smem:$0x3F92] =	sst s1;
	(tag) =	ssettag s2;
	_ =	strace s9  }
0x27: {  	s1 =	sld [smem:$0x3FA2]  }
0x28: {  	s2 =	sld [smem:$0x3FA3]  }
0x29: {  	s4 =	sld [smem:$0x3FA5]  }
0x2a: {  	p0 =	seq.s32 s5, $0x0;
	s5 =	sld [smem:$0x3FA6]  }
0x2b: {  	s6 =	sld [smem:$0x3FA7]  }
0x2c: {  	s7 =	sld [smem:$0x3FA8]  }
0x2d: {  	s3 =	simm.s32 $0x108;
	s8 =	sld [smem:$0x3FA9]  }
0x2e: {  	s3 =	simm.s32 @!p0 $0x1082;
	s9 =	sld [smem:$0x3FAA]  }
0x2f: {  	lr =	sadd.s32 s0, s3;
	s0 =	sld [smem:$0x3FA1]  }
0x30: {  	s3 =	sld [smem:$0x3FA4]  }
0x31: {  	[smem:$0x3FAD] =	sst s10  }
0x32: {  	s10 =	sld [smem:$0x3FAB];
	_ =	sdelay $0x3  }
0x33: {  	p0 =	seq.s32 s10, $0x1;
	s10 =	sld [smem:$0x3FAD];
	_ =	sdelay $0x3  }
0x34: {  	[smem:$0x3FAD] =	sst s10  }
0x35: {  	s10 =	sld [smem:$0x3FAC];
	_ =	sdelay $0x3  }
0x36: {  	p1 =	seq.s32 s10, $0x1;
	s10 =	sld [smem:$0x3FAD];
	_ =	sdelay $0x3  }
0x37: {  	[smem:$0x3FAD] =	sst s10  }
0x38: {  	s10 =	sld [smem:$0x3FAE]  }
0x39: {  	_ = 	snop;
	(pc) =	sbr.ind lr, $3  }
0x3a: {  	_ = 	snop  }
0x3b: {  	_ = 	snop  }
0x3c: {  	p2 =	seq.s32 s10, $0x1;
	s10 =	sld [smem:$0x3FAD]  }
0x3d: {  	_ =	shalt  }
0x3e: {  	_ =	shalt  }
0x3f: {  	_ =	shalt  }
0x40: {  	_ =	shalt  }
0x41: {  	_ =	shalt  }
0x42: {  	_ =	shalt  }
0x43: {  	_ =	shalt  }
0x44: {  	_ =	shalt  }
0x45: {  	_ =	shalt  }
0x46: {  	_ =	shalt  }
0x47: {  	_ =	shalt  }
0x48: {  	_ =	shalt  }
0x49: {  	_ =	shalt  }
0x4a: {  	_ =	shalt  }
0x4b: {  	_ =	shalt  }
0x4c: {  	_ =	shalt  }
0x4d: {  	_ =	shalt  }
0x4e: {  	_ =	shalt  }
0x4f: {  	_ =	shalt  }
0x50: {  	_ =	shalt  }
0x51: {  	_ =	shalt  }
0x52: {  	_ =	shalt  }
0x53: {  	_ =	shalt  }
0x54: {  	_ =	shalt  }
0x55: {  	_ =	shalt  }
0x56: {  	_ =	shalt  }
0x57: {  	_ =	shalt  }
0x58: {  	_ =	shalt  }
0x59: {  	_ =	shalt  }
0x5a: {  	_ =	shalt  }
0x5b: {  	_ =	shalt  }
0x5c: {  	_ =	shalt  }
0x5d: {  	_ =	shalt  }
0x5e: {  	_ =	shalt  }
0x5f: {  	_ =	shalt  }
0x60: {  	_ =	shalt  }
0x61: {  	_ =	shalt  }
0x62: {  	_ =	shalt  }
0x63: {  	_ =	shalt  }
0x64: {  	_ =	shalt  }
0x65: {  	_ =	shalt  }
0x66: {  	_ =	shalt  }
0x67: {  	_ =	shalt  }
0x68: {  	_ =	shalt  }
0x69: {  	_ =	shalt  }
0x6a: {  	_ =	shalt  }
0x6b: {  	_ =	shalt  }
0x6c: {  	_ =	shalt  }
0x6d: {  	_ =	shalt  }
0x6e: {  	_ =	shalt  }
0x6f: {  	_ =	shalt  }
0x70: {  	_ =	shalt  }
0x71: {  	_ =	shalt  }
0x72: {  	_ =	shalt  }
0x73: {  	_ =	shalt  }
0x74: {  	_ =	shalt  }
0x75: {  	_ =	shalt  }
0x76: {  	_ =	shalt  }
0x77: {  	_ =	shalt  }
0x78: {  	_ =	shalt  }
0x79: {  	_ =	shalt  }
0x7a: {  	_ =	shalt  }
0x7b: {  	_ =	shalt  }
0x7c: {  	_ =	shalt  }
0x7d: {  	_ =	shalt  }
0x7e: {  	_ =	shalt  }
0x7f: {  	_ =	shalt  }
0x80: {  	_ =	shalt  }
0x81: {  	_ =	shalt  }
0x82: {  	_ =	shalt  }
0x83: {  	_ =	shalt  }
0x84: {  	_ =	shalt  }
0x85: {  	_ =	shalt  }
0x86: {  	_ =	shalt  }
0x87: {  	_ =	shalt  }
.Lfunc_end0:
.L_simem_size_0:
called_computation.1_lowered:
.L_overlay_start_0:
0x88: {  	s2 =	sld [smem:$0x3FD9]  }
0x89: {  	s3 =	sld [smem:$0x3FFE];
	_ =	sdelay $0x1  }
0x8a: {  	s1 =	srdreg.scid  }
0x8b: {  	s0 =	sand.u32 $0x1, s1  }
0x8c: {  	s14 =	sshll.u32 s0, $0xA;
	s2 =	sadd.s32 s3, s2  }
0x8d: {  	s2 =	sadd.s32 s2, s14  }
0x8e: {  	[smem:$0x3FB9] =	sst s2  }
0x8f: {  	_ = 	snop  }
0x90: {  	s2 =	sld [smem:$0x3FD0];
	_ =	sdelay $0x2  }
0x91: {  	s15 =	simm.s32 $0xA;
	s4 =	simm.s32 $0x10  }
0x92: {  	[smem:s4], [sflag:s15] =	dma.local [hbm:s2], $0x1  }
0x93: {  	_ =	swait.eq [sflag:s15], $0x1  }
0x94: {  	[sflag:s15] =	ssyncset.done $0x0  }
0x95: {  	[sflag:s15] =	ssyncadd.s32 $0xFFFFFFFF  }
0x96: {  	s16 =	sld [smem:$0x10];
	(tm) =	ssettm $0x1  }
0x97: {  	s17 =	sld [smem:$0x3FFB];
	_ =	sdelay $0x3  }
0x98: {  	_ =	strace s17  }
0x99: {  	s3 =	sld [smem:$0x3FFC];
	_ =	sdelay $0x3  }
0x9a: {  	_ =	strace s3  }
0x9b: {  	s3 =	sld [smem:$0x3FFD];
	_ =	sdelay $0x3  }
0x9c: {  	_ =	strace s3  }
0x9d: {  	_ =	strace $0x8FFFFFFF  }
0x9e: {  	s18 =	sld [smem:$0x3FDB];
	_ =	sdelay $0x1  }
0x9f: {  	s19 =	simm.s32 $_scs_section_size  }
0xa0: {  	s5 =	simm.s32 $_size__tile_overlayer_lowered;
	s6 =	simm.s32 $_tile_overlayer_lowered  }
0xa1: {  	s22 =	simm.s32 $0x1BFF;
	s21 =	sshll.u32 s6, $0x1;
	s3 =	sadd.s32 s19, s18  }
0xa2: {  	s7 =	simm.s32 $0x0;
	s20 =	sshll.u32 s5, $0x1;
	s5 =	sadd.s32 s21, s3  }
0xa3: {  	[timem:s7], [sflag:s22] =	dma.local [hbm:s5], s20  }
0xa4: {  	_ =	swait.ge [sflag:s22], s20  }
0xa5: {  	s4 =	ssub.s32 $0x0, s20;
	[sflag:s22] =	ssyncset.done $0x0  }
0xa6: {  	[sflag:s22] =	ssyncadd.s32 s4;
	_ =	sdelay $0x1  }
0xa7: {  	s23 =	simm.s32 $0x1B8B  }
0xa8: {  	_ =	swait.ge [sflag:s23], $0x1  }
0xa9: {  	[sflag:s23] =	ssyncset.done $0x0  }
0xaa: {  	s25 =	simm.s32 $0x1B8E;
	s24 =	sld [smem:$0x3FFE];
	[sflag:s23] =	ssyncadd.s32 $0xFFFFFFFF  }
0xab: {  	s26 =	simm.s32 $execute0_lowered;
	[smem:$0x3FD2] =	sst s25  }
0xac: {  	s5 =	sshll.u32 s26, $0x1;
	_ =	strace $0x80000049;
	[dreg:$0x1] =	wrdreg $0xFFFFFFFF  }
0xad: {  	s28 =	simm.s32 $_size_execute0_lowered;
	s3 =	sadd.s32 s3, s5;
	[dreg:$0x0] =	wrdreg $0x0  }
0xae: {  	s5 =	sshll.u32 s28, $0x1;
	[dreg:$0x2] =	wrdreg s3  }
0xaf: {  	[dreg:$0x3] =	wrdreg s5  }
0xb0: {  	[dreg:$0x4] =	wrdreg $0xC0  }
0xb1: {  	_ =	task [dreg:s7], $0x5FFFF  }
0xb2: {  	[dreg:$0x1] =	wrdreg $0xFFFFFFFF  }
0xb3: {  	[dreg:$0x0] =	wrdreg $0x60  }
0xb4: {  	[dreg:$0x2] =	wrdreg s24  }
0xb5: {  	[dreg:$0x3] =	wrdreg s16  }
0xb6: {  	[dreg:$0x4] =	wrdreg $0x9  }
0xb7: {  	_ =	task.clear_ibuf [dreg:s7], $0x5FFFF;
	_ =	strace $0x90000049  }
0xb8: {  	s29 =	simm.s32 $0x9;
	_ =	strace $0x8000004B  }
0xb9: {  	_ =	swait.ge [sflag:s29], $0x1  }
0xba: {  	[sflag:s29] =	ssyncadd.s32 $0xFFFFFFFF  }
0xbb: {  	_ =	strace $0x9000004B  }
0xbc: {  	_ =	sfence  }
0xbd: {  	s30 =	sld [smem:$0x0];
	_ =	sdelay $0x2  }
0xbe: {  	s31 =	sshll.u32 s1, $0xD;
	s1 =	sshrl.u32 s1, $0x2  }
0xbf: {  	s3 =	sand.u32 $0x4000, s31;
	s1 =	sadd.s32 s1, s30  }
0xc0: {  	s0 =	sor.u32 s3, s0;
	s1 =	sshll.u32 s1, $0x11  }
0xc1: {  	s0 =	sor.u32 s1, s0  }
0xc2: {  	s0 =	sadd.s32 $0x8F2B, s0  }
0xc3: {  	[sflag:s0] =	ssyncadd.remote.s32 $0x1  }
0xc4: {  	_ =	sfence.sel $0xFFFF  }
0xc5: {  	[dreg:$0x0] =	wrdreg $0xFFFFFFFF;
	(pc) =	sbr.abs _section_cstart, $3  }
0xc6: {  	[dreg:$0x1] =	wrdreg $0xFFFFFFFF  }
0xc7: {  	_ =	task.clear_ibuf [dreg:s7], $0x2FFFF;
	_ =	strace $0x9FFFFFFF  }
0xc8: {  	(tm) =	ssettm $0x7FFFFFFF  }
0xc9: {  	_ =	shalt  }
tec
execute0_lowered:
.L_overlay_start_1:
0x0: {  	(tag) =	ssettag $0x1  }
0x1: {  	s0 =	rddreg [dreg:$0x0]  }
0x2: {  	s1 =	rddreg [dreg:$0x1];
	s3 =	srdreg.scid  }
0x3: {  	s5 =	stileid.u32;
	s2 =	simm.s32 $0x0;
	s17 =	simm.s32 $0x5  }
0x4: {  	s18 =	simm.s32 $0x16000;
	s19 =	simm.s32 $0x16800;
	s11 =	simm.s32 $0x2  }
0x5: {  	s12 =	simm.s32 $0x0;
	s4 =	sand.u32 $0x1, s3;
	s20 =	sshll.u32 s5, $0x1  }
0x6: {  	[smem:$0x7FF] =	sst s2;
	s3 =	sadd.s32 $0x1AB400, s0;
	s8 =	sadd.s32 $0x33400, s0  }
0x7: {  	s5 =	sor.u32 s4, s20;
	_ =	strace $0x8000004A;
	s4 =	ssub.s32 $0x2, s4  }
0x8: {  	s20 =	simm.s32 $0x17800;
	s6 =	sshll.u32 s5, $0xC;
	s9 =	smul.u32 $0x3000, s5  }
0x9: {  	s21 =	sshrl.u32 s4, $0x1;
	s22 =	sshll.u32 s5, $0x5;
	s10 =	smul.u32 $0x18000, s5  }
0xa: {  	s5 =	sadd.s32 $0x1AB500, s0;
	s7 =	sadd.s32 s6, s0;
	s1 =	sadd.s32 s1, s22  }
0xb: {  	s4 =	ssub.s32 s4, s21;
	[dreg:$0x3] =	wrdreg s1;
	s23 =	sadd.s32 $0x13400, s7  }
0xc: {  	s6 =	sadd.s32 $0x1AB600, s0;
	s26 =	sadd.s32 $0x13800, s7;
	[dreg:$0x4] =	wrdreg s23  }
0xd: {  	s21 =	simm.s32 $0xC000;
	s24 =	sadd.s32 s8, s9;
	[dreg:$0x6] =	wrdreg s26  }
0xe: {  	s22 =	simm.s32 $0x3;
	s28 =	sadd.s32 $0x13C00, s7;
	[dreg:$0x5] =	wrdreg s24  }
0xf: {  	s25 =	sshrl.u32 s10, $0x3;
	s30 =	sadd.s32 $0x14000, s7;
	[dreg:$0x8] =	wrdreg s28  }
0x10: {  	s31 =	smax.u32 s4, $0x1;
	s7 =	simm.s32 $0x15800;
	[dreg:$0xa] =	wrdreg s30  }
0x11: {  	s1 =	sadd.s32 $0xC00, s24;
	s0 =	sadd.s32 s8, s25;
	[dreg:$0xc] =	wrdreg s31  }
0x12: {  	v2 =	vlaneseq.u32;
	s9 =	simm.s32 $0x17000;
	[dreg:$0x7] =	wrdreg s1;
	s29 =	sadd.s32 $0x1800, s0  }
0x13: {  	vm0 =	vmmov $0xffff;
	v1 =	vshrl.u32 v2, $0x3;
	s10 =	simm.s32 $0x1;
	s0 =	sadd.s32 $0x2400, s0;
	[dreg:$0x9] =	wrdreg s29  }
0x14: {  	v0 =	vand.u32 $0x7, v2;
	v2 =	vor.u32 $0x8, v2;
	v1 =	vmul.u32 $0x8, v1;
	s8 =	simm.s32 $0x18100;
	s23 =	simm.s32 $0x4;
	[dreg:$0xb] =	wrdreg s0  }
.LBB2_1:
0x15: {  	s0 =	rddreg [dreg:$0x3];
	s1 =	simm.s32 $0x18000  }
0x16: {  	[tilespmem:s1], [sflag:$0x5] =	stream.linear.gather [hbm4b:s0+s2], $0x100, $0x38;
	[tilespmem:$0x1A100] =	vst v63  }
0x17: {  	_ =	swait.ge [sflag:s17], $0x100  }
0x18: {  	[sflag:s17] =	ssyncset.done $0x0  }
0x19: {  	[sflag:s17] =	ssyncadd.s32 $0xFFFFFF00  }
0x1a: {  	v3 =	vld [tilespmem:$0x18000];
	_ =	sdelay $0x4  }
0x1b: {  	v4 =	vshrl.u32 v3, $0x3  }
0x1c: {  	v4 =	vmul.u32 $0x30, v4  }
0x1d: {  	v3 =	vand.u32 $0x7, v3  }
0x1e: {  	v3 =	vor.u32 v3, v4  }
0x1f: {  	v4 =	vperm.xlane v3, v0;
	_ =	sdelay $0x1  }
0x20: {  	v4 =	vadd.s32 v1, v4;
	_ =	sdelay $0x3  }
0x21: {  	v3 =	vperm.xlane v3, v2  }
0x22: {  	[tilespmem:s2], [sflag:$0x1] =	stream.indirect_vreg.gather [hbm4b:s3+s2], $0x80, v4, vm0, $0xb8;
	[tilespmem:$0x1A100] =	vst v63  }
0x23: {  	s29 =	simm.s32 $0x800;
	v3 =	vadd.s32 v1, v3  }
0x24: {  	[tilespmem:s29], [sflag:$0x1] =	stream.indirect_vreg.gather [hbm4b:s5+s2], $0x80, v4, vm0, $0xb8;
	[tilespmem:$0x1A100] =	vst v63  }
0x25: {  	s30 =	simm.s32 $0x1000  }
0x26: {  	[tilespmem:s30], [sflag:$0x1] =	stream.indirect_vreg.gather [hbm4b:s6+s2], $0x80, v4, vm0, $0xb8;
	[tilespmem:$0x1A100] =	vst v63  }
0x27: {  	s31 =	simm.s32 $0x1800  }
0x28: {  	[tilespmem:s31], [sflag:$0x1] =	stream.indirect_vreg.gather [hbm4b:s3+s2], $0x80, v3, vm0, $0xb8;
	[tilespmem:$0x1A100] =	vst v63  }
0x29: {  	s1 =	simm.s32 $0x2000  }
0x2a: {  	[tilespmem:s1], [sflag:$0x1] =	stream.indirect_vreg.gather [hbm4b:s5+s2], $0x80, v3, vm0, $0xb8;
	[tilespmem:$0x1A100] =	vst v63  }
0x2b: {  	s4 =	simm.s32 $0x2800  }
0x2c: {  	[tilespmem:s4], [sflag:$0x1] =	stream.indirect_vreg.gather [hbm4b:s6+s2], $0x80, v3, vm0, $0xb8;
	[tilespmem:$0x1A100] =	vst v63  }
0x2d: {  	v3 =	vld [tilespmem:$0x18010];
	_ =	sdelay $0x4  }
0x2e: {  	v57 =	vshrl.u32 v3, $0x3  }
0x2f: {  	v4 =	vmul.u32 $0x30, v57  }
0x30: {  	v3 =	vand.u32 $0x7, v3  }
0x31: {  	v3 =	vor.u32 v3, v4  }
0x32: {  	v4 =	vperm.xlane v3, v0;
	_ =	sdelay $0x1  }
0x33: {  	v4 =	vadd.s32 v1, v4;
	_ =	sdelay $0x3  }
0x34: {  	s13 =	simm.s32 $0x3000;
	v3 =	vperm.xlane v3, v2  }
0x35: {  	[tilespmem:s13], [sflag:$0x1] =	stream.indirect_vreg.gather [hbm4b:s3+s2], $0x80, v4, vm0, $0xb8;
	[tilespmem:$0x1A100] =	vst v63  }
0x36: {  	s14 =	simm.s32 $0x3800;
	v3 =	vadd.s32 v1, v3  }
0x37: {  	[tilespmem:s14], [sflag:$0x1] =	stream.indirect_vreg.gather [hbm4b:s5+s2], $0x80, v4, vm0, $0xb8;
	[tilespmem:$0x1A100] =	vst v63  }
0x38: {  	s15 =	simm.s32 $0x4000  }
0x39: {  	[tilespmem:s15], [sflag:$0x1] =	stream.indirect_vreg.gather [hbm4b:s6+s2], $0x80, v4, vm0, $0xb8;
	[tilespmem:$0x1A100] =	vst v63  }
0x3a: {  	s16 =	simm.s32 $0x4800  }
0x3b: {  	[tilespmem:s16], [sflag:$0x1] =	stream.indirect_vreg.gather [hbm4b:s3+s2], $0x80, v3, vm0, $0xb8;
	[tilespmem:$0x1A100] =	vst v63  }
0x3c: {  	s24 =	simm.s32 $0x5000  }
0x3d: {  	[tilespmem:s24], [sflag:$0x1] =	stream.indirect_vreg.gather [hbm4b:s5+s2], $0x80, v3, vm0, $0xb8;
	[tilespmem:$0x1A100] =	vst v63  }
0x3e: {  	s25 =	simm.s32 $0x5800  }
0x3f: {  	[tilespmem:s25], [sflag:$0x1] =	stream.indirect_vreg.gather [hbm4b:s6+s2], $0x80, v3, vm0, $0xb8;
	[tilespmem:$0x1A100] =	vst v63  }
0x40: {  	v3 =	vld [tilespmem:$0x18020];
	_ =	sdelay $0x4  }
0x41: {  	v58 =	vshrl.u32 v3, $0x3  }
0x42: {  	v4 =	vmul.u32 $0x30, v58  }
0x43: {  	v3 =	vand.u32 $0x7, v3  }
0x44: {  	v3 =	vor.u32 v3, v4  }
0x45: {  	v4 =	vperm.xlane v3, v0;
	_ =	sdelay $0x1  }
0x46: {  	v4 =	vadd.s32 v1, v4;
	_ =	sdelay $0x3  }
0x47: {  	s26 =	simm.s32 $0x6000;
	v3 =	vperm.xlane v3, v2  }
0x48: {  	[tilespmem:s26], [sflag:$0x1] =	stream.indirect_vreg.gather [hbm4b:s3+s2], $0x80, v4, vm0, $0xb8;
	[tilespmem:$0x1A100] =	vst v63  }
0x49: {  	s28 =	simm.s32 $0x6800;
	v3 =	vadd.s32 v1, v3  }
0x4a: {  	[tilespmem:s28], [sflag:$0x1] =	stream.indirect_vreg.gather [hbm4b:s5+s2], $0x80, v4, vm0, $0xb8;
	[tilespmem:$0x1A100] =	vst v63  }
0x4b: {  	s29 =	simm.s32 $0x7000  }
0x4c: {  	[tilespmem:s29], [sflag:$0x1] =	stream.indirect_vreg.gather [hbm4b:s6+s2], $0x80, v4, vm0, $0xb8;
	[tilespmem:$0x1A100] =	vst v63  }
0x4d: {  	s30 =	simm.s32 $0x7800  }
0x4e: {  	[tilespmem:s30], [sflag:$0x1] =	stream.indirect_vreg.gather [hbm4b:s3+s2], $0x80, v3, vm0, $0xb8;
	[tilespmem:$0x1A100] =	vst v63  }
0x4f: {  	s31 =	simm.s32 $0x8000  }
0x50: {  	[tilespmem:s31], [sflag:$0x1] =	stream.indirect_vreg.gather [hbm4b:s5+s2], $0x80, v3, vm0, $0xb8;
	[tilespmem:$0x1A100] =	vst v63  }
0x51: {  	s1 =	simm.s32 $0x8800  }
0x52: {  	[tilespmem:s1], [sflag:$0x1] =	stream.indirect_vreg.gather [hbm4b:s6+s2], $0x80, v3, vm0, $0xb8;
	[tilespmem:$0x1A100] =	vst v63  }
0x53: {  	v3 =	vld [tilespmem:$0x18030];
	_ =	sdelay $0x4  }
0x54: {  	v59 =	vshrl.u32 v3, $0x3  }
0x55: {  	v4 =	vmul.u32 $0x30, v59  }
0x56: {  	v3 =	vand.u32 $0x7, v3  }
0x57: {  	v3 =	vor.u32 v3, v4  }
0x58: {  	v4 =	vperm.xlane v3, v0;
	_ =	sdelay $0x1  }
0x59: {  	v4 =	vadd.s32 v1, v4;
	_ =	sdelay $0x3  }
0x5a: {  	s4 =	simm.s32 $0x9000;
	v3 =	vperm.xlane v3, v2  }
0x5b: {  	[tilespmem:s4], [sflag:$0x1] =	stream.indirect_vreg.gather [hbm4b:s3+s2], $0x80, v4, vm0, $0xb8;
	[tilespmem:$0x1A100] =	vst v63  }
0x5c: {  	s13 =	simm.s32 $0x9800;
	v3 =	vadd.s32 v1, v3  }
0x5d: {  	[tilespmem:s13], [sflag:$0x1] =	stream.indirect_vreg.gather [hbm4b:s5+s2], $0x80, v4, vm0, $0xb8;
	[tilespmem:$0x1A100] =	vst v63  }
0x5e: {  	s14 =	simm.s32 $0xA000  }
0x5f: {  	[tilespmem:s14], [sflag:$0x1] =	stream.indirect_vreg.gather [hbm4b:s6+s2], $0x80, v4, vm0, $0xb8;
	[tilespmem:$0x1A100] =	vst v63  }
0x60: {  	s15 =	simm.s32 $0xA800  }
0x61: {  	[tilespmem:s15], [sflag:$0x1] =	stream.indirect_vreg.gather [hbm4b:s3+s2], $0x80, v3, vm0, $0xb8;
	[tilespmem:$0x1A100] =	vst v63  }
0x62: {  	s16 =	simm.s32 $0xB000  }
0x63: {  	[tilespmem:s16], [sflag:$0x1] =	stream.indirect_vreg.gather [hbm4b:s5+s2], $0x80, v3, vm0, $0xb8;
	[tilespmem:$0x1A100] =	vst v63  }
0x64: {  	s24 =	simm.s32 $0xB800  }
0x65: {  	[tilespmem:s24], [sflag:$0x1] =	stream.indirect_vreg.gather [hbm4b:s6+s2], $0x80, v3, vm0, $0xb8;
	[tilespmem:$0x1A100] =	vst v63  }
0x66: {  	v3 =	vld [tilespmem:$0x18040];
	_ =	sdelay $0x4  }
0x67: {  	v60 =	vshrl.u32 v3, $0x3  }
0x68: {  	v4 =	vmul.u32 $0x30, v60  }
0x69: {  	v3 =	vand.u32 $0x7, v3  }
0x6a: {  	v3 =	vor.u32 v3, v4  }
0x6b: {  	v4 =	vperm.xlane v3, v0;
	_ =	sdelay $0x1  }
0x6c: {  	v4 =	vadd.s32 v1, v4;
	_ =	sdelay $0x3  }
0x6d: {  	v3 =	vperm.xlane v3, v2  }
0x6e: {  	[tilespmem:s21], [sflag:$0x2] =	stream.indirect_vreg.gather [hbm4b:s3+s2], $0x80, v4, vm0, $0xb8;
	[tilespmem:$0x1A100] =	vst v63  }
0x6f: {  	s25 =	simm.s32 $0xC800;
	v3 =	vadd.s32 v1, v3  }
0x70: {  	[tilespmem:s25], [sflag:$0x2] =	stream.indirect_vreg.gather [hbm4b:s5+s2], $0x80, v4, vm0, $0xb8;
	[tilespmem:$0x1A100] =	vst v63  }
0x71: {  	s26 =	simm.s32 $0xD000  }
0x72: {  	[tilespmem:s26], [sflag:$0x2] =	stream.indirect_vreg.gather [hbm4b:s6+s2], $0x80, v4, vm0, $0xb8;
	[tilespmem:$0x1A100] =	vst v63  }
0x73: {  	s28 =	simm.s32 $0xD800  }
0x74: {  	[tilespmem:s28], [sflag:$0x2] =	stream.indirect_vreg.gather [hbm4b:s3+s2], $0x80, v3, vm0, $0xb8;
	[tilespmem:$0x1A100] =	vst v63  }
0x75: {  	s29 =	simm.s32 $0xE000  }
0x76: {  	[tilespmem:s29], [sflag:$0x2] =	stream.indirect_vreg.gather [hbm4b:s5+s2], $0x80, v3, vm0, $0xb8;
	[tilespmem:$0x1A100] =	vst v63  }
0x77: {  	s30 =	simm.s32 $0xE800  }
0x78: {  	[tilespmem:s30], [sflag:$0x2] =	stream.indirect_vreg.gather [hbm4b:s6+s2], $0x80, v3, vm0, $0xb8;
	[tilespmem:$0x1A100] =	vst v63  }
0x79: {  	v3 =	vld [tilespmem:$0x18050];
	_ =	sdelay $0x4  }
0x7a: {  	v61 =	vshrl.u32 v3, $0x3  }
0x7b: {  	v4 =	vmul.u32 $0x30, v61  }
0x7c: {  	v3 =	vand.u32 $0x7, v3  }
0x7d: {  	v3 =	vor.u32 v3, v4  }
0x7e: {  	v4 =	vperm.xlane v3, v0;
	_ =	sdelay $0x1  }
0x7f: {  	v4 =	vadd.s32 v1, v4;
	_ =	sdelay $0x3  }
0x80: {  	s31 =	simm.s32 $0xF000;
	v3 =	vperm.xlane v3, v2  }
0x81: {  	[tilespmem:s31], [sflag:$0x2] =	stream.indirect_vreg.gather [hbm4b:s3+s2], $0x80, v4, vm0, $0xb8;
	[tilespmem:$0x1A100] =	vst v63  }
0x82: {  	s1 =	simm.s32 $0xF800;
	v3 =	vadd.s32 v1, v3  }
0x83: {  	[tilespmem:s1], [sflag:$0x2] =	stream.indirect_vreg.gather [hbm4b:s5+s2], $0x80, v4, vm0, $0xb8;
	[tilespmem:$0x1A100] =	vst v63  }
0x84: {  	s4 =	simm.s32 $0x10000  }
0x85: {  	[tilespmem:s4], [sflag:$0x2] =	stream.indirect_vreg.gather [hbm4b:s6+s2], $0x80, v4, vm0, $0xb8;
	[tilespmem:$0x1A100] =	vst v63  }
0x86: {  	s13 =	simm.s32 $0x10800  }
0x87: {  	[tilespmem:s13], [sflag:$0x2] =	stream.indirect_vreg.gather [hbm4b:s3+s2], $0x80, v3, vm0, $0xb8;
	[tilespmem:$0x1A100] =	vst v63  }
0x88: {  	s14 =	simm.s32 $0x11000  }
0x89: {  	[tilespmem:s14], [sflag:$0x2] =	stream.indirect_vreg.gather [hbm4b:s5+s2], $0x80, v3, vm0, $0xb8;
	[tilespmem:$0x1A100] =	vst v63  }
0x8a: {  	s15 =	simm.s32 $0x11800  }
0x8b: {  	[tilespmem:s15], [sflag:$0x2] =	stream.indirect_vreg.gather [hbm4b:s6+s2], $0x80, v3, vm0, $0xb8;
	[tilespmem:$0x1A100] =	vst v63  }
0x8c: {  	v3 =	vld [tilespmem:$0x18060];
	_ =	sdelay $0x4  }
0x8d: {  	v62 =	vshrl.u32 v3, $0x3  }
0x8e: {  	v4 =	vmul.u32 $0x30, v62  }
0x8f: {  	v3 =	vand.u32 $0x7, v3  }
0x90: {  	v3 =	vor.u32 v3, v4  }
0x91: {  	v4 =	vperm.xlane v3, v0;
	_ =	sdelay $0x1  }
0x92: {  	v4 =	vadd.s32 v1, v4;
	_ =	sdelay $0x3  }
0x93: {  	s16 =	simm.s32 $0x12000;
	v3 =	vperm.xlane v3, v2  }
0x94: {  	[tilespmem:s16], [sflag:$0x2] =	stream.indirect_vreg.gather [hbm4b:s3+s2], $0x80, v4, vm0, $0xb8;
	[tilespmem:$0x1A100] =	vst v63  }
0x95: {  	s24 =	simm.s32 $0x12800;
	v3 =	vadd.s32 v1, v3  }
0x96: {  	[tilespmem:s24], [sflag:$0x2] =	stream.indirect_vreg.gather [hbm4b:s5+s2], $0x80, v4, vm0, $0xb8;
	[tilespmem:$0x1A100] =	vst v63  }
0x97: {  	s25 =	simm.s32 $0x13000  }
0x98: {  	[tilespmem:s25], [sflag:$0x2] =	stream.indirect_vreg.gather [hbm4b:s6+s2], $0x80, v4, vm0, $0xb8;
	[tilespmem:$0x1A100] =	vst v63  }
0x99: {  	s26 =	simm.s32 $0x13800  }
0x9a: {  	[tilespmem:s26], [sflag:$0x2] =	stream.indirect_vreg.gather [hbm4b:s3+s2], $0x80, v3, vm0, $0xb8;
	[tilespmem:$0x1A100] =	vst v63  }
0x9b: {  	s28 =	simm.s32 $0x14000  }
0x9c: {  	[tilespmem:s28], [sflag:$0x2] =	stream.indirect_vreg.gather [hbm4b:s5+s2], $0x80, v3, vm0, $0xb8;
	[tilespmem:$0x1A100] =	vst v63  }
0x9d: {  	s29 =	simm.s32 $0x14800  }
0x9e: {  	[tilespmem:s29], [sflag:$0x2] =	stream.indirect_vreg.gather [hbm4b:s6+s2], $0x80, v3, vm0, $0xb8;
	[tilespmem:$0x1A100] =	vst v63  }
0x9f: {  	v3 =	vld [tilespmem:$0x18070];
	_ =	sdelay $0x4  }
0xa0: {  	v63 =	vshrl.u32 v3, $0x3  }
0xa1: {  	v4 =	vmul.u32 $0x30, v63  }
0xa2: {  	v3 =	vand.u32 $0x7, v3  }
0xa3: {  	v3 =	vor.u32 v3, v4  }
0xa4: {  	v4 =	vperm.xlane v3, v0;
	_ =	sdelay $0x1  }
0xa5: {  	v4 =	vadd.s32 v1, v4;
	_ =	sdelay $0x3  }
0xa6: {  	s30 =	simm.s32 $0x15000;
	v3 =	vperm.xlane v3, v2  }
0xa7: {  	[tilespmem:s30], [sflag:$0x2] =	stream.indirect_vreg.gather [hbm4b:s3+s2], $0x80, v4, vm0, $0xb8;
	[tilespmem:$0x1A100] =	vst v63  }
0xa8: {  	v3 =	vadd.s32 v1, v3  }
0xa9: {  	[tilespmem:s7], [sflag:$0x2] =	stream.indirect_vreg.gather [hbm4b:s5+s2], $0x80, v4, vm0, $0xb8;
	[tilespmem:$0x1A100] =	vst v63  }
0xaa: {  	_ = 	snop  }
0xab: {  	[tilespmem:s18], [sflag:$0x2] =	stream.indirect_vreg.gather [hbm4b:s6+s2], $0x80, v4, vm0, $0xb8;
	[tilespmem:$0x1A100] =	vst v63  }
0xac: {  	_ = 	snop  }
0xad: {  	[tilespmem:s19], [sflag:$0x2] =	stream.indirect_vreg.gather [hbm4b:s3+s2], $0x80, v3, vm0, $0xb8;
	[tilespmem:$0x1A100] =	vst v63  }
0xae: {  	_ = 	snop  }
0xaf: {  	[tilespmem:s9], [sflag:$0x2] =	stream.indirect_vreg.gather [hbm4b:s5+s2], $0x80, v3, vm0, $0xb8;
	[tilespmem:$0x1A100] =	vst v63  }
0xb0: {  	_ = 	snop  }
0xb1: {  	[tilespmem:s20], [sflag:$0x2] =	stream.indirect_vreg.gather [hbm4b:s6+s2], $0x80, v3, vm0, $0xb8;
	[tilespmem:$0x1A100] =	vst v63  }
0xb2: {  	s31 =	rddreg [dreg:$0x4]  }
0xb3: {  	[tilespmem:s8], [sflag:$0x5] =	stream.linear.gather [hbm4b:s31+s2], $0x2000, $0x38;
	[tilespmem:$0x1A100] =	vst v63  }
0xb4: {  	_ =	swait.ge [sflag:s17], $0x2000  }
0xb5: {  	[sflag:s17] =	ssyncset.done $0x0  }
0xb6: {  	[sflag:s17] =	ssyncadd.s32 $0xFFFFE000  }
0xb7: {  	_ =	swait.ge [sflag:s10], $0xC000  }
0xb8: {  	[sflag:s10] =	ssyncset.done $0x0  }
0xb9: {  	s13 =	simm.s32 $0x0;
	[sflag:s10] =	ssyncadd.s32 $0xFFFF4000  }
.LBB2_2:
0xba: {  	s0 =	sshrl.u32 s13, $0x2  }
0xbb: {  	s1 =	sshll.u32 s13, $0x8;
	s0 =	smul.u32 $0x6000, s0  }
0xbc: {  	s16 =	simm.s32 $0x0;
	s15 =	sand.u32 $0x3FFFFF00, s1  }
0xbd: {  	s25 =	sor.u32 $0x80, s1;
	s4 =	sand.u32 $0x1C00, s16;
	s24 =	sshra.s32 s0, $0x2  }
0xbe: {  	s14 =	sand.u32 $0x300, s1;
	v3 =	vld [tilespmem:s15+$0x18100];
	s15 =	sand.u32 $0x70, s16;
	s1 =	sadd.s32 s4, s24  }
0xbf: {  	s0 =	sand.u32 $0x3FFFFF80, s25;
	s25 =	sand.u32 $0x380, s25;
	s26 =	sadd.s32 s14, s1  }
0xc0: {  	v4 =	vld [tilespmem:s0+$0x18100];
	s1 =	sadd.s32 s25, s1;
	s26 =	sadd.s32 s15, s26  }
0xc1: {  	s1 =	sadd.s32 s15, s1;
	v5 =	vld [tilespmem:s26+$0x0]  }
0xc2: {  	v6 =	vld [tilespmem:s1+$0x0];
	_ =	sdelay $0x1  }
0xc3: {  	s16 =	sshrl.u32 s13, $0x3  }
0xc4: {  	s0 =	smul.u32 $0x6000, s16  }
0xc5: {  	s28 =	simm.s32 $0x80;
	s26 =	sshll.u32 s13, $0x7  }
0xc6: {  	s31 =	simm.s32 $0x20;
	s0 =	sshra.s32 s0, $0x2;
	s1 =	sand.u32 $0x380, s26;
	v5 =	vmul.f32 v5, v3;
	v6 =	vmul.f32 v6, v4  }
0xc7: {  	s30 =	sand.u32 $0x1C00, s28;
	s16 =	simm.s32 $0x10;
	s26 =	sor.u32 s1, s0  }
0xc8: {  	s29 =	sand.u32 $0x70, s16;
	s0 =	sadd.s32 s30, s24;
	s1 =	sadd.s32 s4, s26;
	v5 =	vadd.f32 v6, v5  }
.LBB2_3:
0xc9: {  	p0 =	sne.s32 s31, $0x2F0;
	s4 =	sadd.s32 s14, s0;
	s1 =	sadd.s32 s15, s1  }
0xca: {  	s0 =	sadd.s32 s25, s0;
	s15 =	smov.u32 s29;
	s4 =	sadd.s32 s29, s4;
	[tilespmem:s1+$0x0] =	vst v5  }
0xcb: {  	s0 =	sadd.s32 s15, s0;
	s1 =	smov.u32 s30;
	v5 =	vld [tilespmem:s4+$0x0]  }
0xcc: {  	v6 =	vld [tilespmem:s0+$0x0];
	_ =	sdelay $0x2  }
.Ltmp0:
0xcd: {  	(pc) =	sbr.rel @p0 .LBB2_3-.Ltmp0, $4  }
0xce: {  	_ = 	snop  }
0xcf: {  	s28 =	sadd.s32 $0x80, s28;
	v5 =	vmul.f32 v5, v3;
	v6 =	vmul.f32 v6, v4  }
0xd0: {  	s29 =	sand.u32 $0x70, s31;
	s30 =	sand.u32 $0x1C00, s28  }
0xd1: {  	s31 =	sadd.s32 $0x10, s31;
	s1 =	sadd.s32 s1, s26;
	s0 =	sadd.s32 s30, s24;
	v5 =	vadd.f32 v6, v5  }
0xd2: {  	s4 =	sadd.s32 s14, s0;
	s1 =	sadd.s32 s15, s1  }
0xd3: {  	s28 =	sadd.s32 s25, s0;
	s4 =	sadd.s32 s29, s4;
	[tilespmem:s1+$0x0] =	vst v5  }
0xd4: {  	s0 =	sadd.s32 s29, s28;
	v5 =	vld [tilespmem:s4+$0x0]  }
0xd5: {  	v6 =	vld [tilespmem:s0+$0x0];
	_ =	sdelay $0x2  }
0xd6: {  	s13 =	sadd.s32 $0x1, s13  }
0xd7: {  	p0 =	sne.s32 s13, $0x20  }
.Ltmp1:
0xd8: {  	v3 =	vmul.f32 v5, v3;
	v4 =	vmul.f32 v6, v4;
	(pc) =	sbr.rel @p0 .LBB2_2-.Ltmp1, $4  }
0xd9: {  	_ = 	snop  }
0xda: {  	s31 =	sadd.s32 s30, s26;
	v3 =	vadd.f32 v4, v3  }
0xdb: {  	s0 =	sadd.s32 s29, s31  }
0xdc: {  	[tilespmem:s0+$0x0] =	vst v3  }
0xdd: {  	s24 =	simm.s32 $0x0;
	s0 =	rddreg [dreg:$0x5]  }
0xde: {  	[hbm4b:s0+s24] =	stream.linear.scatter [tilespmem:s24], [sflag:$0x3], $0x6000, $0x38;
	[tilespmem:$0x1A100] =	vst v63  }
0xdf: {  	_ =	swait.ge [sflag:s22], $0x6000  }
0xe0: {  	[sflag:s22] =	ssyncset.done $0x0  }
0xe1: {  	[sflag:s22] =	ssyncadd.s32 $0xFFFFA000  }
0xe2: {  	v3 =	vld [tilespmem:$0x18080];
	_ =	sdelay $0x4  }
0xe3: {  	v4 =	vshrl.u32 v3, $0x3  }
0xe4: {  	v4 =	vmul.u32 $0x30, v4  }
0xe5: {  	v3 =	vand.u32 $0x7, v3  }
0xe6: {  	v3 =	vor.u32 v3, v4  }
0xe7: {  	v4 =	vperm.xlane v3, v0;
	_ =	sdelay $0x1  }
0xe8: {  	v4 =	vadd.s32 v1, v4;
	_ =	sdelay $0x3  }
0xe9: {  	v3 =	vperm.xlane v3, v2  }
0xea: {  	[tilespmem:s24], [sflag:$0x1] =	stream.indirect_vreg.gather [hbm4b:s3+s24], $0x80, v4, vm0, $0xb8;
	[tilespmem:$0x1A100] =	vst v63  }
0xeb: {  	s1 =	simm.s32 $0x800;
	v3 =	vadd.s32 v1, v3  }
0xec: {  	[tilespmem:s1], [sflag:$0x1] =	stream.indirect_vreg.gather [hbm4b:s5+s24], $0x80, v4, vm0, $0xb8;
	[tilespmem:$0x1A100] =	vst v63  }
0xed: {  	s4 =	simm.s32 $0x1000  }
0xee: {  	[tilespmem:s4], [sflag:$0x1] =	stream.indirect_vreg.gather [hbm4b:s6+s24], $0x80, v4, vm0, $0xb8;
	[tilespmem:$0x1A100] =	vst v63  }
0xef: {  	s13 =	simm.s32 $0x1800  }
0xf0: {  	[tilespmem:s13], [sflag:$0x1] =	stream.indirect_vreg.gather [hbm4b:s3+s24], $0x80, v3, vm0, $0xb8;
	[tilespmem:$0x1A100] =	vst v63  }
0xf1: {  	s14 =	simm.s32 $0x2000  }
0xf2: {  	[tilespmem:s14], [sflag:$0x1] =	stream.indirect_vreg.gather [hbm4b:s5+s24], $0x80, v3, vm0, $0xb8;
	[tilespmem:$0x1A100] =	vst v63  }
0xf3: {  	s15 =	simm.s32 $0x2800  }
0xf4: {  	[tilespmem:s15], [sflag:$0x1] =	stream.indirect_vreg.gather [hbm4b:s6+s24], $0x80, v3, vm0, $0xb8;
	[tilespmem:$0x1A100] =	vst v63  }
0xf5: {  	v3 =	vld [tilespmem:$0x18090];
	_ =	sdelay $0x4  }
0xf6: {  	v61 =	vshrl.u32 v3, $0x3  }
0xf7: {  	v4 =	vmul.u32 $0x30, v61  }
0xf8: {  	v3 =	vand.u32 $0x7, v3  }
0xf9: {  	v3 =	vor.u32 v3, v4  }
0xfa: {  	v4 =	vperm.xlane v3, v0;
	_ =	sdelay $0x1  }
0xfb: {  	v4 =	vadd.s32 v1, v4;
	_ =	sdelay $0x3  }
0xfc: {  	s16 =	simm.s32 $0x3000;
	v3 =	vperm.xlane v3, v2  }
0xfd: {  	[tilespmem:s16], [sflag:$0x1] =	stream.indirect_vreg.gather [hbm4b:s3+s24], $0x80, v4, vm0, $0xb8;
	[tilespmem:$0x1A100] =	vst v63  }
0xfe: {  	s25 =	simm.s32 $0x3800;
	v3 =	vadd.s32 v1, v3  }
0xff: {  	[tilespmem:s25], [sflag:$0x1] =	stream.indirect_vreg.gather [hbm4b:s5+s24], $0x80, v4, vm0, $0xb8;
	[tilespmem:$0x1A100] =	vst v63  }
0x100: {  	s26 =	simm.s32 $0x4000  }
0x101: {  	[tilespmem:s26], [sflag:$0x1] =	stream.indirect_vreg.gather [hbm4b:s6+s24], $0x80, v4, vm0, $0xb8;
	[tilespmem:$0x1A100] =	vst v63  }
0x102: {  	s28 =	simm.s32 $0x4800  }
0x103: {  	[tilespmem:s28], [sflag:$0x1] =	stream.indirect_vreg.gather [hbm4b:s3+s24], $0x80, v3, vm0, $0xb8;
	[tilespmem:$0x1A100] =	vst v63  }
0x104: {  	s29 =	simm.s32 $0x5000  }
0x105: {  	[tilespmem:s29], [sflag:$0x1] =	stream.indirect_vreg.gather [hbm4b:s5+s24], $0x80, v3, vm0, $0xb8;
	[tilespmem:$0x1A100] =	vst v63  }
0x106: {  	s30 =	simm.s32 $0x5800  }
0x107: {  	[tilespmem:s30], [sflag:$0x1] =	stream.indirect_vreg.gather [hbm4b:s6+s24], $0x80, v3, vm0, $0xb8;
	[tilespmem:$0x1A100] =	vst v63  }
0x108: {  	v3 =	vld [tilespmem:$0x180A0];
	_ =	sdelay $0x4  }
0x109: {  	v62 =	vshrl.u32 v3, $0x3  }
0x10a: {  	v4 =	vmul.u32 $0x30, v62  }
0x10b: {  	v3 =	vand.u32 $0x7, v3  }
0x10c: {  	v3 =	vor.u32 v3, v4  }
0x10d: {  	v4 =	vperm.xlane v3, v0;
	_ =	sdelay $0x1  }
0x10e: {  	v4 =	vadd.s32 v1, v4;
	_ =	sdelay $0x3  }
0x10f: {  	s31 =	simm.s32 $0x6000;
	v3 =	vperm.xlane v3, v2  }
0x110: {  	[tilespmem:s31], [sflag:$0x1] =	stream.indirect_vreg.gather [hbm4b:s3+s24], $0x80, v4, vm0, $0xb8;
	[tilespmem:$0x1A100] =	vst v63  }
0x111: {  	s1 =	simm.s32 $0x6800;
	v3 =	vadd.s32 v1, v3  }
0x112: {  	[tilespmem:s1], [sflag:$0x1] =	stream.indirect_vreg.gather [hbm4b:s5+s24], $0x80, v4, vm0, $0xb8;
	[tilespmem:$0x1A100] =	vst v63  }
0x113: {  	s4 =	simm.s32 $0x7000  }
0x114: {  	[tilespmem:s4], [sflag:$0x1] =	stream.indirect_vreg.gather [hbm4b:s6+s24], $0x80, v4, vm0, $0xb8;
	[tilespmem:$0x1A100] =	vst v63  }
0x115: {  	s13 =	simm.s32 $0x7800  }
0x116: {  	[tilespmem:s13], [sflag:$0x1] =	stream.indirect_vreg.gather [hbm4b:s3+s24], $0x80, v3, vm0, $0xb8;
	[tilespmem:$0x1A100] =	vst v63  }
0x117: {  	s14 =	simm.s32 $0x8000  }
0x118: {  	[tilespmem:s14], [sflag:$0x1] =	stream.indirect_vreg.gather [hbm4b:s5+s24], $0x80, v3, vm0, $0xb8;
	[tilespmem:$0x1A100] =	vst v63  }
0x119: {  	s15 =	simm.s32 $0x8800  }
0x11a: {  	[tilespmem:s15], [sflag:$0x1] =	stream.indirect_vreg.gather [hbm4b:s6+s24], $0x80, v3, vm0, $0xb8;
	[tilespmem:$0x1A100] =	vst v63  }
0x11b: {  	v3 =	vld [tilespmem:$0x180B0];
	_ =	sdelay $0x4  }
0x11c: {  	v63 =	vshrl.u32 v3, $0x3  }
0x11d: {  	v4 =	vmul.u32 $0x30, v63  }
0x11e: {  	v3 =	vand.u32 $0x7, v3  }
0x11f: {  	v3 =	vor.u32 v3, v4  }
0x120: {  	v4 =	vperm.xlane v3, v0;
	_ =	sdelay $0x1  }
0x121: {  	v4 =	vadd.s32 v1, v4;
	_ =	sdelay $0x3  }
0x122: {  	s16 =	simm.s32 $0x9000;
	v3 =	vperm.xlane v3, v2  }
0x123: {  	[tilespmem:s16], [sflag:$0x1] =	stream.indirect_vreg.gather [hbm4b:s3+s24], $0x80, v4, vm0, $0xb8;
	[tilespmem:$0x1A100] =	vst v63  }
0x124: {  	s25 =	simm.s32 $0x9800;
	v3 =	vadd.s32 v1, v3  }
0x125: {  	[tilespmem:s25], [sflag:$0x1] =	stream.indirect_vreg.gather [hbm4b:s5+s24], $0x80, v4, vm0, $0xb8;
	[tilespmem:$0x1A100] =	vst v63  }
0x126: {  	s26 =	simm.s32 $0xA000  }
0x127: {  	[tilespmem:s26], [sflag:$0x1] =	stream.indirect_vreg.gather [hbm4b:s6+s24], $0x80, v4, vm0, $0xb8;
	[tilespmem:$0x1A100] =	vst v63  }
0x128: {  	s28 =	simm.s32 $0xA800  }
0x129: {  	[tilespmem:s28], [sflag:$0x1] =	stream.indirect_vreg.gather [hbm4b:s3+s24], $0x80, v3, vm0, $0xb8;
	[tilespmem:$0x1A100] =	vst v63  }
0x12a: {  	s29 =	simm.s32 $0xB000  }
0x12b: {  	[tilespmem:s29], [sflag:$0x1] =	stream.indirect_vreg.gather [hbm4b:s5+s24], $0x80, v3, vm0, $0xb8;
	[tilespmem:$0x1A100] =	vst v63  }
0x12c: {  	s30 =	simm.s32 $0xB800  }
0x12d: {  	[tilespmem:s30], [sflag:$0x1] =	stream.indirect_vreg.gather [hbm4b:s6+s24], $0x80, v3, vm0, $0xb8;
	[tilespmem:$0x1A100] =	vst v63  }
0x12e: {  	s31 =	rddreg [dreg:$0x6]  }
0x12f: {  	[tilespmem:s8], [sflag:$0x5] =	stream.linear.gather [hbm4b:s31+s24], $0x2000, $0x38;
	[tilespmem:$0x1A100] =	vst v63  }
0x130: {  	_ =	swait.ge [sflag:s17], $0x2000  }
0x131: {  	[sflag:s17] =	ssyncset.done $0x0  }
0x132: {  	[sflag:s17] =	ssyncadd.s32 $0xFFFFE000  }
0x133: {  	_ =	swait.ge [sflag:s11], $0xC000  }
0x134: {  	[sflag:s11] =	ssyncset.done $0x0  }
0x135: {  	s13 =	simm.s32 $0x0;
	[sflag:s11] =	ssyncadd.s32 $0xFFFF4000  }
.LBB2_6:
0x136: {  	s0 =	sshrl.u32 s13, $0x2  }
0x137: {  	s0 =	smul.u32 $0x6000, s0;
	_ =	sdelay $0x1  }
0x138: {  	s1 =	sshll.u32 s13, $0x8;
	s16 =	sand.u32 $0x1C00, s24;
	s0 =	sshra.s32 s0, $0x2  }
0x139: {  	s4 =	sand.u32 $0x3FFFFF00, s1;
	s15 =	sor.u32 $0x80, s1;
	s25 =	sadd.s32 $0xC000, s0  }
0x13a: {  	s14 =	sand.u32 $0x300, s1;
	s26 =	sand.u32 $0x380, s15;
	s1 =	sadd.s32 s16, s25  }
0x13b: {  	v3 =	vld [tilespmem:s4+$0x18100];
	s0 =	sand.u32 $0x3FFFFF80, s15;
	s15 =	sand.u32 $0x70, s24;
	s4 =	sadd.s32 s14, s1  }
0x13c: {  	v4 =	vld [tilespmem:s0+$0x18100];
	s1 =	sadd.s32 s26, s1;
	s4 =	sadd.s32 s15, s4  }
0x13d: {  	v5 =	vld [tilespmem:s4+$0x0];
	s4 =	sadd.s32 s15, s1  }
0x13e: {  	v6 =	vld [tilespmem:s4+$0x0]  }
0x13f: {  	s1 =	sshrl.u32 s13, $0x3  }
0x140: {  	s0 =	smul.u32 $0x6000, s1  }
0x141: {  	s4 =	sshll.u32 s13, $0x7  }
0x142: {  	s1 =	sand.u32 $0x380, s4;
	s0 =	sshra.s32 s0, $0x2  }
0x143: {  	s29 =	simm.s32 $0x80;
	s4 =	simm.s32 $0x10;
	s0 =	sor.u32 s1, s0;
	v5 =	vmul.f32 v5, v3;
	v6 =	vmul.f32 v6, v4  }
0x144: {  	s31 =	sand.u32 $0x1C00, s29;
	s30 =	sand.u32 $0x70, s4;
	s28 =	sadd.s32 $0xC000, s0  }
0x145: {  	s1 =	sadd.s32 s31, s25;
	s0 =	simm.s32 $0x20;
	s16 =	sadd.s32 s16, s28;
	v5 =	vadd.f32 v6, v5  }
.LBB2_7:
0x146: {  	p0 =	sne.s32 s0, $0x2F0;
	s4 =	sadd.s32 s14, s1;
	s15 =	sadd.s32 s15, s16  }
0x147: {  	s1 =	sadd.s32 s26, s1;
	s4 =	sadd.s32 s30, s4;
	[tilespmem:s15+$0x0] =	vst v5;
	s15 =	smov.u32 s30  }
0x148: {  	v5 =	vld [tilespmem:s4+$0x0];
	s1 =	sadd.s32 s15, s1;
	s4 =	smov.u32 s31  }
0x149: {  	v6 =	vld [tilespmem:s1+$0x0];
	_ =	sdelay $0x2  }
.Ltmp2:
0x14a: {  	(pc) =	sbr.rel @p0 .LBB2_7-.Ltmp2, $4  }
0x14b: {  	_ = 	snop  }
0x14c: {  	s29 =	sadd.s32 $0x80, s29;
	v5 =	vmul.f32 v5, v3;
	v6 =	vmul.f32 v6, v4  }
0x14d: {  	s30 =	sand.u32 $0x70, s0;
	s31 =	sand.u32 $0x1C00, s29  }
0x14e: {  	s0 =	sadd.s32 $0x10, s0;
	s1 =	sadd.s32 s31, s25;
	s16 =	sadd.s32 s4, s28;
	v5 =	vadd.f32 v6, v5  }
0x14f: {  	s0 =	sadd.s32 s14, s1;
	s4 =	sadd.s32 s15, s16  }
0x150: {  	s26 =	sadd.s32 s26, s1;
	s0 =	sadd.s32 s30, s0;
	[tilespmem:s4+$0x0] =	vst v5  }
0x151: {  	s29 =	sadd.s32 s30, s26;
	v5 =	vld [tilespmem:s0+$0x0]  }
0x152: {  	v6 =	vld [tilespmem:s29+$0x0];
	_ =	sdelay $0x2  }
0x153: {  	s13 =	sadd.s32 $0x1, s13  }
0x154: {  	p0 =	sne.s32 s13, $0x20  }
.Ltmp3:
0x155: {  	v3 =	vmul.f32 v5, v3;
	v4 =	vmul.f32 v6, v4;
	(pc) =	sbr.rel @p0 .LBB2_6-.Ltmp3, $4  }
0x156: {  	_ = 	snop  }
0x157: {  	s31 =	sadd.s32 s31, s28;
	v3 =	vadd.f32 v4, v3  }
0x158: {  	s0 =	sadd.s32 s30, s31  }
0x159: {  	[tilespmem:s0+$0x0] =	vst v3  }
0x15a: {  	s24 =	simm.s32 $0x0;
	s0 =	rddreg [dreg:$0x7]  }
0x15b: {  	[hbm4b:s0+s24] =	stream.linear.scatter [tilespmem:s21], [sflag:$0x4], $0x6000, $0x38;
	[tilespmem:$0x1A100] =	vst v63  }
0x15c: {  	_ =	swait.ge [sflag:s23], $0x6000  }
0x15d: {  	[sflag:s23] =	ssyncset.done $0x0  }
0x15e: {  	[sflag:s23] =	ssyncadd.s32 $0xFFFFA000  }
0x15f: {  	v3 =	vld [tilespmem:$0x180C0];
	_ =	sdelay $0x4  }
0x160: {  	v4 =	vshrl.u32 v3, $0x3  }
0x161: {  	v4 =	vmul.u32 $0x30, v4  }
0x162: {  	v3 =	vand.u32 $0x7, v3  }
0x163: {  	v3 =	vor.u32 v3, v4  }
0x164: {  	v4 =	vperm.xlane v3, v0;
	_ =	sdelay $0x1  }
0x165: {  	v4 =	vadd.s32 v1, v4;
	_ =	sdelay $0x3  }
0x166: {  	v3 =	vperm.xlane v3, v2  }
0x167: {  	[tilespmem:s21], [sflag:$0x2] =	stream.indirect_vreg.gather [hbm4b:s3+s24], $0x80, v4, vm0, $0xb8;
	[tilespmem:$0x1A100] =	vst v63  }
0x168: {  	s16 =	simm.s32 $0xC800;
	v3 =	vadd.s32 v1, v3  }
0x169: {  	[tilespmem:s16], [sflag:$0x2] =	stream.indirect_vreg.gather [hbm4b:s5+s24], $0x80, v4, vm0, $0xb8;
	[tilespmem:$0x1A100] =	vst v63  }
0x16a: {  	s25 =	simm.s32 $0xD000  }
0x16b: {  	[tilespmem:s25], [sflag:$0x2] =	stream.indirect_vreg.gather [hbm4b:s6+s24], $0x80, v4, vm0, $0xb8;
	[tilespmem:$0x1A100] =	vst v63  }
0x16c: {  	s26 =	simm.s32 $0xD800  }
0x16d: {  	[tilespmem:s26], [sflag:$0x2] =	stream.indirect_vreg.gather [hbm4b:s3+s24], $0x80, v3, vm0, $0xb8;
	[tilespmem:$0x1A100] =	vst v63  }
0x16e: {  	s28 =	simm.s32 $0xE000  }
0x16f: {  	[tilespmem:s28], [sflag:$0x2] =	stream.indirect_vreg.gather [hbm4b:s5+s24], $0x80, v3, vm0, $0xb8;
	[tilespmem:$0x1A100] =	vst v63  }
0x170: {  	s29 =	simm.s32 $0xE800  }
0x171: {  	[tilespmem:s29], [sflag:$0x2] =	stream.indirect_vreg.gather [hbm4b:s6+s24], $0x80, v3, vm0, $0xb8;
	[tilespmem:$0x1A100] =	vst v63  }
0x172: {  	v3 =	vld [tilespmem:$0x180D0];
	_ =	sdelay $0x4  }
0x173: {  	v61 =	vshrl.u32 v3, $0x3  }
0x174: {  	v4 =	vmul.u32 $0x30, v61  }
0x175: {  	v3 =	vand.u32 $0x7, v3  }
0x176: {  	v3 =	vor.u32 v3, v4  }
0x177: {  	v4 =	vperm.xlane v3, v0;
	_ =	sdelay $0x1  }
0x178: {  	v4 =	vadd.s32 v1, v4;
	_ =	sdelay $0x3  }
0x179: {  	s30 =	simm.s32 $0xF000;
	v3 =	vperm.xlane v3, v2  }
0x17a: {  	[tilespmem:s30], [sflag:$0x2] =	stream.indirect_vreg.gather [hbm4b:s3+s24], $0x80, v4, vm0, $0xb8;
	[tilespmem:$0x1A100] =	vst v63  }
0x17b: {  	s31 =	simm.s32 $0xF800;
	v3 =	vadd.s32 v1, v3  }
0x17c: {  	[tilespmem:s31], [sflag:$0x2] =	stream.indirect_vreg.gather [hbm4b:s5+s24], $0x80, v4, vm0, $0xb8;
	[tilespmem:$0x1A100] =	vst v63  }
0x17d: {  	s1 =	simm.s32 $0x10000  }
0x17e: {  	[tilespmem:s1], [sflag:$0x2] =	stream.indirect_vreg.gather [hbm4b:s6+s24], $0x80, v4, vm0, $0xb8;
	[tilespmem:$0x1A100] =	vst v63  }
0x17f: {  	s4 =	simm.s32 $0x10800  }
0x180: {  	[tilespmem:s4], [sflag:$0x2] =	stream.indirect_vreg.gather [hbm4b:s3+s24], $0x80, v3, vm0, $0xb8;
	[tilespmem:$0x1A100] =	vst v63  }
0x181: {  	s13 =	simm.s32 $0x11000  }
0x182: {  	[tilespmem:s13], [sflag:$0x2] =	stream.indirect_vreg.gather [hbm4b:s5+s24], $0x80, v3, vm0, $0xb8;
	[tilespmem:$0x1A100] =	vst v63  }
0x183: {  	s14 =	simm.s32 $0x11800  }
0x184: {  	[tilespmem:s14], [sflag:$0x2] =	stream.indirect_vreg.gather [hbm4b:s6+s24], $0x80, v3, vm0, $0xb8;
	[tilespmem:$0x1A100] =	vst v63  }
0x185: {  	v3 =	vld [tilespmem:$0x180E0];
	_ =	sdelay $0x4  }
0x186: {  	v62 =	vshrl.u32 v3, $0x3  }
0x187: {  	v4 =	vmul.u32 $0x30, v62  }
0x188: {  	v3 =	vand.u32 $0x7, v3  }
0x189: {  	v3 =	vor.u32 v3, v4  }
0x18a: {  	v4 =	vperm.xlane v3, v0;
	_ =	sdelay $0x1  }
0x18b: {  	v4 =	vadd.s32 v1, v4;
	_ =	sdelay $0x3  }
0x18c: {  	s15 =	simm.s32 $0x12000;
	v3 =	vperm.xlane v3, v2  }
0x18d: {  	[tilespmem:s15], [sflag:$0x2] =	stream.indirect_vreg.gather [hbm4b:s3+s24], $0x80, v4, vm0, $0xb8;
	[tilespmem:$0x1A100] =	vst v63  }
0x18e: {  	s16 =	simm.s32 $0x12800;
	v3 =	vadd.s32 v1, v3  }
0x18f: {  	[tilespmem:s16], [sflag:$0x2] =	stream.indirect_vreg.gather [hbm4b:s5+s24], $0x80, v4, vm0, $0xb8;
	[tilespmem:$0x1A100] =	vst v63  }
0x190: {  	s25 =	simm.s32 $0x13000  }
0x191: {  	[tilespmem:s25], [sflag:$0x2] =	stream.indirect_vreg.gather [hbm4b:s6+s24], $0x80, v4, vm0, $0xb8;
	[tilespmem:$0x1A100] =	vst v63  }
0x192: {  	s26 =	simm.s32 $0x13800  }
0x193: {  	[tilespmem:s26], [sflag:$0x2] =	stream.indirect_vreg.gather [hbm4b:s3+s24], $0x80, v3, vm0, $0xb8;
	[tilespmem:$0x1A100] =	vst v63  }
0x194: {  	s28 =	simm.s32 $0x14000  }
0x195: {  	[tilespmem:s28], [sflag:$0x2] =	stream.indirect_vreg.gather [hbm4b:s5+s24], $0x80, v3, vm0, $0xb8;
	[tilespmem:$0x1A100] =	vst v63  }
0x196: {  	s29 =	simm.s32 $0x14800  }
0x197: {  	[tilespmem:s29], [sflag:$0x2] =	stream.indirect_vreg.gather [hbm4b:s6+s24], $0x80, v3, vm0, $0xb8;
	[tilespmem:$0x1A100] =	vst v63  }
0x198: {  	v3 =	vld [tilespmem:$0x180F0];
	_ =	sdelay $0x4  }
0x199: {  	v63 =	vshrl.u32 v3, $0x3  }
0x19a: {  	v4 =	vmul.u32 $0x30, v63  }
0x19b: {  	v3 =	vand.u32 $0x7, v3  }
0x19c: {  	v3 =	vor.u32 v3, v4  }
0x19d: {  	v4 =	vperm.xlane v3, v0;
	_ =	sdelay $0x1  }
0x19e: {  	v4 =	vadd.s32 v1, v4;
	_ =	sdelay $0x3  }
0x19f: {  	s30 =	simm.s32 $0x15000;
	v3 =	vperm.xlane v3, v2  }
0x1a0: {  	[tilespmem:s30], [sflag:$0x2] =	stream.indirect_vreg.gather [hbm4b:s3+s24], $0x80, v4, vm0, $0xb8;
	[tilespmem:$0x1A100] =	vst v63  }
0x1a1: {  	v3 =	vadd.s32 v1, v3  }
0x1a2: {  	[tilespmem:s7], [sflag:$0x2] =	stream.indirect_vreg.gather [hbm4b:s5+s24], $0x80, v4, vm0, $0xb8;
	[tilespmem:$0x1A100] =	vst v63  }
0x1a3: {  	_ = 	snop  }
0x1a4: {  	[tilespmem:s18], [sflag:$0x2] =	stream.indirect_vreg.gather [hbm4b:s6+s24], $0x80, v4, vm0, $0xb8;
	[tilespmem:$0x1A100] =	vst v63  }
0x1a5: {  	_ = 	snop  }
0x1a6: {  	[tilespmem:s19], [sflag:$0x2] =	stream.indirect_vreg.gather [hbm4b:s3+s24], $0x80, v3, vm0, $0xb8;
	[tilespmem:$0x1A100] =	vst v63  }
0x1a7: {  	_ = 	snop  }
0x1a8: {  	[tilespmem:s9], [sflag:$0x2] =	stream.indirect_vreg.gather [hbm4b:s5+s24], $0x80, v3, vm0, $0xb8;
	[tilespmem:$0x1A100] =	vst v63  }
0x1a9: {  	_ = 	snop  }
0x1aa: {  	[tilespmem:s20], [sflag:$0x2] =	stream.indirect_vreg.gather [hbm4b:s6+s24], $0x80, v3, vm0, $0xb8;
	[tilespmem:$0x1A100] =	vst v63  }
0x1ab: {  	s31 =	rddreg [dreg:$0x8]  }
0x1ac: {  	[tilespmem:s8], [sflag:$0x5] =	stream.linear.gather [hbm4b:s31+s24], $0x2000, $0x38;
	[tilespmem:$0x1A100] =	vst v63  }
0x1ad: {  	_ =	swait.ge [sflag:s17], $0x2000  }
0x1ae: {  	[sflag:s17] =	ssyncset.done $0x0  }
0x1af: {  	[sflag:s17] =	ssyncadd.s32 $0xFFFFE000  }
0x1b0: {  	_ =	swait.ge [sflag:s10], $0xC000  }
0x1b1: {  	[sflag:s10] =	ssyncset.done $0x0  }
0x1b2: {  	s13 =	simm.s32 $0x0;
	[sflag:s10] =	ssyncadd.s32 $0xFFFF4000  }
.LBB2_10:
0x1b3: {  	s0 =	sshrl.u32 s13, $0x2  }
0x1b4: {  	s0 =	smul.u32 $0x6000, s0  }
0x1b5: {  	s1 =	sshll.u32 s13, $0x8;
	s16 =	sand.u32 $0x1C00, s24  }
0x1b6: {  	s4 =	sand.u32 $0x3FFFFF00, s1;
	s15 =	sor.u32 $0x80, s1;
	s25 =	sshra.s32 s0, $0x2  }
0x1b7: {  	s14 =	sand.u32 $0x300, s1;
	s26 =	sand.u32 $0x380, s15;
	s1 =	sadd.s32 s16, s25  }
0x1b8: {  	v3 =	vld [tilespmem:s4+$0x18100];
	s0 =	sand.u32 $0x3FFFFF80, s15;
	s15 =	sand.u32 $0x70, s24;
	s4 =	sadd.s32 s14, s1  }
0x1b9: {  	v4 =	vld [tilespmem:s0+$0x18100];
	s1 =	sadd.s32 s26, s1;
	s4 =	sadd.s32 s15, s4  }
0x1ba: {  	v5 =	vld [tilespmem:s4+$0x0];
	s4 =	sadd.s32 s15, s1  }
0x1bb: {  	v6 =	vld [tilespmem:s4+$0x0];
	_ =	sdelay $0x1  }
0x1bc: {  	s1 =	sshrl.u32 s13, $0x3  }
0x1bd: {  	s0 =	smul.u32 $0x6000, s1  }
0x1be: {  	s29 =	simm.s32 $0x80;
	s4 =	sshll.u32 s13, $0x7  }
0x1bf: {  	s1 =	sand.u32 $0x380, s4;
	s4 =	simm.s32 $0x10;
	s0 =	sshra.s32 s0, $0x2;
	v5 =	vmul.f32 v5, v3;
	v6 =	vmul.f32 v6, v4  }
0x1c0: {  	s31 =	sand.u32 $0x1C00, s29;
	s30 =	sand.u32 $0x70, s4;
	s28 =	sor.u32 s1, s0  }
0x1c1: {  	s1 =	sadd.s32 s31, s25;
	s0 =	simm.s32 $0x20;
	s16 =	sadd.s32 s16, s28;
	v5 =	vadd.f32 v6, v5  }
.LBB2_11:
0x1c2: {  	p0 =	sne.s32 s0, $0x2F0;
	s4 =	sadd.s32 s14, s1;
	s15 =	sadd.s32 s15, s16  }
0x1c3: {  	s1 =	sadd.s32 s26, s1;
	s4 =	sadd.s32 s30, s4;
	[tilespmem:s15+$0x0] =	vst v5;
	s15 =	smov.u32 s30  }
0x1c4: {  	v5 =	vld [tilespmem:s4+$0x0];
	s1 =	sadd.s32 s15, s1;
	s4 =	smov.u32 s31  }
0x1c5: {  	v6 =	vld [tilespmem:s1+$0x0];
	_ =	sdelay $0x2  }
.Ltmp4:
0x1c6: {  	(pc) =	sbr.rel @p0 .LBB2_11-.Ltmp4, $4  }
0x1c7: {  	_ = 	snop  }
0x1c8: {  	s29 =	sadd.s32 $0x80, s29;
	v5 =	vmul.f32 v5, v3;
	v6 =	vmul.f32 v6, v4  }
0x1c9: {  	s30 =	sand.u32 $0x70, s0;
	s31 =	sand.u32 $0x1C00, s29  }
0x1ca: {  	s0 =	sadd.s32 $0x10, s0;
	s1 =	sadd.s32 s31, s25;
	s16 =	sadd.s32 s4, s28;
	v5 =	vadd.f32 v6, v5  }
0x1cb: {  	s0 =	sadd.s32 s14, s1;
	s4 =	sadd.s32 s15, s16  }
0x1cc: {  	s26 =	sadd.s32 s26, s1;
	s0 =	sadd.s32 s30, s0;
	[tilespmem:s4+$0x0] =	vst v5  }
0x1cd: {  	s29 =	sadd.s32 s30, s26;
	v5 =	vld [tilespmem:s0+$0x0]  }
0x1ce: {  	v6 =	vld [tilespmem:s29+$0x0];
	_ =	sdelay $0x2  }
0x1cf: {  	s13 =	sadd.s32 $0x1, s13  }
0x1d0: {  	p0 =	sne.s32 s13, $0x20  }
.Ltmp5:
0x1d1: {  	v3 =	vmul.f32 v5, v3;
	v4 =	vmul.f32 v6, v4;
	(pc) =	sbr.rel @p0 .LBB2_10-.Ltmp5, $4  }
0x1d2: {  	_ = 	snop  }
0x1d3: {  	s31 =	sadd.s32 s31, s28;
	v3 =	vadd.f32 v4, v3  }
0x1d4: {  	s0 =	sadd.s32 s30, s31  }
0x1d5: {  	[tilespmem:s0+$0x0] =	vst v3  }
0x1d6: {  	s24 =	simm.s32 $0x0;
	s0 =	rddreg [dreg:$0x9]  }
0x1d7: {  	[hbm4b:s0+s24] =	stream.linear.scatter [tilespmem:s24], [sflag:$0x3], $0x6000, $0x38;
	[tilespmem:$0x1A100] =	vst v63  }
0x1d8: {  	s31 =	rddreg [dreg:$0xa]  }
0x1d9: {  	[tilespmem:s8], [sflag:$0x5] =	stream.linear.gather [hbm4b:s31+s24], $0x2000, $0x38;
	[tilespmem:$0x1A100] =	vst v63  }
0x1da: {  	_ =	swait.ge [sflag:s17], $0x2000  }
0x1db: {  	[sflag:s17] =	ssyncset.done $0x0  }
0x1dc: {  	[sflag:s17] =	ssyncadd.s32 $0xFFFFE000  }
0x1dd: {  	_ =	swait.ge [sflag:s11], $0xC000  }
0x1de: {  	[sflag:s11] =	ssyncset.done $0x0  }
0x1df: {  	s13 =	simm.s32 $0x0;
	[sflag:s11] =	ssyncadd.s32 $0xFFFF4000  }
.LBB2_14:
0x1e0: {  	s0 =	sshrl.u32 s13, $0x2  }
0x1e1: {  	s0 =	smul.u32 $0x6000, s0;
	_ =	sdelay $0x1  }
0x1e2: {  	s1 =	sshll.u32 s13, $0x8;
	s16 =	sand.u32 $0x1C00, s24;
	s0 =	sshra.s32 s0, $0x2  }
0x1e3: {  	s4 =	sand.u32 $0x3FFFFF00, s1;
	s15 =	sor.u32 $0x80, s1;
	s25 =	sadd.s32 $0xC000, s0  }
0x1e4: {  	s14 =	sand.u32 $0x300, s1;
	s26 =	sand.u32 $0x380, s15;
	s1 =	sadd.s32 s16, s25  }
0x1e5: {  	v3 =	vld [tilespmem:s4+$0x18100];
	s0 =	sand.u32 $0x3FFFFF80, s15;
	s15 =	sand.u32 $0x70, s24;
	s4 =	sadd.s32 s14, s1  }
0x1e6: {  	v4 =	vld [tilespmem:s0+$0x18100];
	s1 =	sadd.s32 s26, s1;
	s4 =	sadd.s32 s15, s4  }
0x1e7: {  	v5 =	vld [tilespmem:s4+$0x0];
	s4 =	sadd.s32 s15, s1  }
0x1e8: {  	v6 =	vld [tilespmem:s4+$0x0]  }
0x1e9: {  	s1 =	sshrl.u32 s13, $0x3  }
0x1ea: {  	s0 =	smul.u32 $0x6000, s1  }
0x1eb: {  	s4 =	sshll.u32 s13, $0x7  }
0x1ec: {  	s1 =	sand.u32 $0x380, s4;
	s0 =	sshra.s32 s0, $0x2  }
0x1ed: {  	s29 =	simm.s32 $0x80;
	s4 =	simm.s32 $0x10;
	s0 =	sor.u32 s1, s0;
	v5 =	vmul.f32 v5, v3;
	v6 =	vmul.f32 v6, v4  }
0x1ee: {  	s31 =	sand.u32 $0x1C00, s29;
	s30 =	sand.u32 $0x70, s4;
	s28 =	sadd.s32 $0xC000, s0  }
0x1ef: {  	s1 =	sadd.s32 s31, s25;
	s0 =	simm.s32 $0x20;
	s16 =	sadd.s32 s16, s28;
	v5 =	vadd.f32 v6, v5  }
.LBB2_15:
0x1f0: {  	p0 =	sne.s32 s0, $0x2F0;
	s4 =	sadd.s32 s14, s1;
	s15 =	sadd.s32 s15, s16  }
0x1f1: {  	s1 =	sadd.s32 s26, s1;
	s4 =	sadd.s32 s30, s4;
	[tilespmem:s15+$0x0] =	vst v5;
	s15 =	smov.u32 s30  }
0x1f2: {  	v5 =	vld [tilespmem:s4+$0x0];
	s1 =	sadd.s32 s15, s1;
	s4 =	smov.u32 s31  }
0x1f3: {  	v6 =	vld [tilespmem:s1+$0x0];
	_ =	sdelay $0x2  }
.Ltmp6:
0x1f4: {  	(pc) =	sbr.rel @p0 .LBB2_15-.Ltmp6, $4  }
0x1f5: {  	_ = 	snop  }
0x1f6: {  	s29 =	sadd.s32 $0x80, s29;
	v5 =	vmul.f32 v5, v3;
	v6 =	vmul.f32 v6, v4  }
0x1f7: {  	s30 =	sand.u32 $0x70, s0;
	s31 =	sand.u32 $0x1C00, s29  }
0x1f8: {  	s0 =	sadd.s32 $0x10, s0;
	s1 =	sadd.s32 s31, s25;
	s16 =	sadd.s32 s4, s28;
	v5 =	vadd.f32 v6, v5  }
0x1f9: {  	s0 =	sadd.s32 s14, s1;
	s4 =	sadd.s32 s15, s16  }
0x1fa: {  	s26 =	sadd.s32 s26, s1;
	s0 =	sadd.s32 s30, s0;
	[tilespmem:s4+$0x0] =	vst v5  }
0x1fb: {  	s29 =	sadd.s32 s30, s26;
	v5 =	vld [tilespmem:s0+$0x0]  }
0x1fc: {  	v6 =	vld [tilespmem:s29+$0x0];
	_ =	sdelay $0x2  }
0x1fd: {  	s13 =	sadd.s32 $0x1, s13  }
0x1fe: {  	p0 =	sne.s32 s13, $0x20  }
.Ltmp7:
0x1ff: {  	v3 =	vmul.f32 v5, v3;
	v4 =	vmul.f32 v6, v4;
	(pc) =	sbr.rel @p0 .LBB2_14-.Ltmp7, $4  }
0x200: {  	_ = 	snop  }
0x201: {  	s31 =	sadd.s32 s31, s28;
	v3 =	vadd.f32 v4, v3  }
0x202: {  	s0 =	sadd.s32 s30, s31  }
0x203: {  	[tilespmem:s0+$0x0] =	vst v3  }
0x204: {  	s0 =	rddreg [dreg:$0xb]  }
0x205: {  	[hbm4b:s0+s2] =	stream.linear.scatter [tilespmem:s21], [sflag:$0x4], $0x6000, $0x38;
	[tilespmem:$0x1A100] =	vst v63  }
0x206: {  	_ =	swait.ge [sflag:s22], $0x6000  }
0x207: {  	[sflag:s22] =	ssyncset.done $0x0  }
0x208: {  	[sflag:s22] =	ssyncadd.s32 $0xFFFFA000  }
0x209: {  	_ =	swait.ge [sflag:s23], $0x6000  }
0x20a: {  	s12 =	sadd.s32 $0x1, s12;
	s31 =	rddreg [dreg:$0xc]  }
0x20b: {  	p0 =	sne.s32 s12, s31  }
.Ltmp8:
0x20c: {  	_ = 	snop;
	(pc) =	sbr.rel @p0 .LBB2_1-.Ltmp8, $3  }
0x20d: {  	_ =	sdelay $0x1  }
0x20e: {  	[sflag:s23] =	ssyncset.done $0x0  }
0x20f: {  	[sflag:s23] =	ssyncadd.s32 $0xFFFFA000  }
0x210: {  	_ =	sfence.sel $0x180000  }
0x211: {  	[bflag:$0x0] =	sbarrier.arrive $0xFFFF  }
0x212: {  	_ =	strace $0x9000004A  }
0x213: {  	s0 =	stileid.u32;
	[bflag:$0x2] =	sbarrier.arrive $0xFFFF  }
0x214: {  	p0 =	sne.s32 s0, $0x0;
	s0 =	rddreg [dreg:$0x2]  }
0x215: {  	s0 =	sadd.s32 @!p0 $0x100000, s0  }
0x216: {  	[sflag:s0] =	ssyncadd.tile.s32 @!p0 $0x1;
	_ =	shalt  }
.Lfunc_end2:
_tile_overlayer_lowered:
.L_overlay_start_2:
0x217: {  	(tag) =	ssettag $0x2  }
0x218: {  	s0 =	rddreg [dreg:$0x0];
	s2 =	stileid.u32  }
0x219: {  	s1 =	rddreg [dreg:$0x1];
	p0 =	sne.s32 s2, $0x0  }
0x21a: {  	s3 =	rddreg [dreg:$0x2];
	[bflag:$0x3] =	sbarrier.arrive $0xFFFF;
	s2 =	simm.s32 @!p0 $0x1C05  }
0x21b: {  	[timem:s3], [sflag:s2] =	dma.local @!p0 [hbm:s0], s1  }
0x21c: {  	s0 =	simm.s32 @!p0 $0x5  }
0x21d: {  	_ =	swait.ge @!p0 [sflag:s0], s1  }
0x21e: {  	s1 =	ssub.s32 @!p0 $0x0, s1;
	[sflag:s0] =	ssyncset.done @!p0 $0x0  }
0x21f: {  	[sflag:s0] =	ssyncadd.s32 @!p0 s1  }
0x220: {  	[bflag:$0x3] =	sbarrier.arrive $0xFFFF  }
0x221: {  	_ =	shalt  }

// kernel: kernel.7.cloned.1.call-start
scs
__scs_entry_jumppad:
0x0: {  	(pc) =	sbr.rel $0x88, $3  }
0x1: {  	(tag) =	ssettag $0x0;
	lr =	simm.s32 $0x1  }
0x2: {  	[smem:$0x3F92] =	sst lr;
	_ =	strace $0xD0000000  }
0x3: {  	_ = 	snop  }
0x4: {  	_ = 	snop  }
0x5: {  	_ = 	snop  }
0x6: {  	_ = 	snop  }
0x7: {  	_ = 	snop  }
__scs_overlays_trampoline_lowered:
0x8: {  	[smem:$0x3FA1] =	sst s0  }
0x9: {  	[smem:$0x3FA2] =	sst s1  }
0xa: {  	[smem:$0x3FA3] =	sst s2  }
0xb: {  	[smem:$0x3FA4] =	sst s3  }
0xc: {  	[smem:$0x3FA5] =	sst s4  }
0xd: {  	[smem:$0x3FA6] =	sst s5  }
0xe: {  	[smem:$0x3FA7] =	sst s6  }
0xf: {  	[smem:$0x3FA8] =	sst s7  }
0x10: {  	[smem:$0x3FA9] =	sst s8  }
0x11: {  	[smem:$0x3FAA] =	sst s9;
	s0 =	simm.s32 @!p0 $0x0  }
0x12: {  	s1 =	sld [smem:$0x3F90];
	s0 =	simm.s32 @p0 $0x1  }
0x13: {  	[smem:$0x3FAB] =	sst s0;
	s0 =	simm.s32 @!p1 $0x0  }
0x14: {  	s2 =	sld [smem:$0x3F8F];
	s0 =	simm.s32 @p1 $0x1  }
0x15: {  	[smem:$0x3FAC] =	sst s0;
	s0 =	simm.s32 @!p2 $0x0  }
0x16: {  	s3 =	sld [smem:$0x3FDB];
	s0 =	simm.s32 @p2 $0x1  }
0x17: {  	s4 =	simm.s32 $0x1BF5;
	[smem:$0x3FAE] =	sst s0  }
0x18: {  	s0 =	sld [smem:$0x3F91];
	_ =	swait.ge [sflag:s4], $0x0  }
0x19: {  	s7 =	sld [smem:$0x3F92]  }
0x1a: {  	s8 =	sadd.s32 $0xFFFFE003, lr  }
0x1b: {  	s9 =	sadd.s32 $0xFFFFFEF7, lr;
	s5 =	simm.s32 $0xFFFFFFFF;
	p2 =	slt.u32 s8, $0xFFFFF086  }
0x1c: {  	p1 =	slt.u32 s9, $0xF7A;
	s5 =	simm.s32 @!p2 $0x0  }
0x1d: {  	s5 =	simm.s32 @p1 $0x1;
	p0 =	seq.s32 s7, s2  }
0x1e: {  	s7 =	smul.u32 @!p0 $0xF7A, s2;
	p2 =	seq.s32 @!p0 s5, $0x0  }
0x1f: {  	s9 =	smul.u32 $0xF7A, s1;
	s8 =	simm.s32 @!p0 $0x1BF5;
	p2 =	por !p2, p0  }
0x20: {  	[sflag:s8] =	ssyncset.s32 @!p0 $0xFFFFF086;
	s6 =	sadd.s32 @!p0 s3, s7;
	s7 =	simm.s32 @!p0 $0x108  }
0x21: {  	s3 =	sadd.s32 s3, s9;
	s6 =	sadd.s32 @!p0 $0x88, s6;
	s7 =	simm.s32 @p2 $0x1082  }
0x22: {  	[simem:s7], [sflag:s8] =	dma.local @!p0 [hbm:s6], $0xF7A  }
0x23: {  	s9 =	sor.u32 $0xD0000000, s2;
	s6 =	simm.s32 $0x108;
	_ =	swait.ge @!p0 [sflag:s8], $0x0  }
0x24: {  	s3 =	sadd.s32 $0x88, s3;
	s6 =	simm.s32 @!p1 $0x1082;
	[sflag:s4] =	ssyncset.s32 $0xFFFFF086  }
0x25: {  	[simem:s6], [sflag:s4] =	dma.local [hbm:s3], $0xF7A  }
0x26: {  	[smem:$0x3F92] =	sst s1;
	(tag) =	ssettag s2;
	_ =	strace s9  }
0x27: {  	s1 =	sld [smem:$0x3FA2]  }
0x28: {  	s2 =	sld [smem:$0x3FA3]  }
0x29: {  	s4 =	sld [smem:$0x3FA5]  }
0x2a: {  	p0 =	seq.s32 s5, $0x0;
	s5 =	sld [smem:$0x3FA6]  }
0x2b: {  	s6 =	sld [smem:$0x3FA7]  }
0x2c: {  	s7 =	sld [smem:$0x3FA8]  }
0x2d: {  	s3 =	simm.s32 $0x108;
	s8 =	sld [smem:$0x3FA9]  }
0x2e: {  	s3 =	simm.s32 @!p0 $0x1082;
	s9 =	sld [smem:$0x3FAA]  }
0x2f: {  	lr =	sadd.s32 s0, s3;
	s0 =	sld [smem:$0x3FA1]  }
0x30: {  	s3 =	sld [smem:$0x3FA4]  }
0x31: {  	[smem:$0x3FAD] =	sst s10  }
0x32: {  	s10 =	sld [smem:$0x3FAB];
	_ =	sdelay $0x3  }
0x33: {  	p0 =	seq.s32 s10, $0x1;
	s10 =	sld [smem:$0x3FAD];
	_ =	sdelay $0x3  }
0x34: {  	[smem:$0x3FAD] =	sst s10  }
0x35: {  	s10 =	sld [smem:$0x3FAC];
	_ =	sdelay $0x3  }
0x36: {  	p1 =	seq.s32 s10, $0x1;
	s10 =	sld [smem:$0x3FAD];
	_ =	sdelay $0x3  }
0x37: {  	[smem:$0x3FAD] =	sst s10  }
0x38: {  	s10 =	sld [smem:$0x3FAE]  }
0x39: {  	_ = 	snop;
	(pc) =	sbr.ind lr, $3  }
0x3a: {  	_ = 	snop  }
0x3b: {  	_ = 	snop  }
0x3c: {  	p2 =	seq.s32 s10, $0x1;
	s10 =	sld [smem:$0x3FAD]  }
0x3d: {  	_ =	shalt  }
0x3e: {  	_ =	shalt  }
0x3f: {  	_ =	shalt  }
0x40: {  	_ =	shalt  }
0x41: {  	_ =	shalt  }
0x42: {  	_ =	shalt  }
0x43: {  	_ =	shalt  }
0x44: {  	_ =	shalt  }
0x45: {  	_ =	shalt  }
0x46: {  	_ =	shalt  }
0x47: {  	_ =	shalt  }
0x48: {  	_ =	shalt  }
0x49: {  	_ =	shalt  }
0x4a: {  	_ =	shalt  }
0x4b: {  	_ =	shalt  }
0x4c: {  	_ =	shalt  }
0x4d: {  	_ =	shalt  }
0x4e: {  	_ =	shalt  }
0x4f: {  	_ =	shalt  }
0x50: {  	_ =	shalt  }
0x51: {  	_ =	shalt  }
0x52: {  	_ =	shalt  }
0x53: {  	_ =	shalt  }
0x54: {  	_ =	shalt  }
0x55: {  	_ =	shalt  }
0x56: {  	_ =	shalt  }
0x57: {  	_ =	shalt  }
0x58: {  	_ =	shalt  }
0x59: {  	_ =	shalt  }
0x5a: {  	_ =	shalt  }
0x5b: {  	_ =	shalt  }
0x5c: {  	_ =	shalt  }
0x5d: {  	_ =	shalt  }
0x5e: {  	_ =	shalt  }
0x5f: {  	_ =	shalt  }
0x60: {  	_ =	shalt  }
0x61: {  	_ =	shalt  }
0x62: {  	_ =	shalt  }
0x63: {  	_ =	shalt  }
0x64: {  	_ =	shalt  }
0x65: {  	_ =	shalt  }
0x66: {  	_ =	shalt  }
0x67: {  	_ =	shalt  }
0x68: {  	_ =	shalt  }
0x69: {  	_ =	shalt  }
0x6a: {  	_ =	shalt  }
0x6b: {  	_ =	shalt  }
0x6c: {  	_ =	shalt  }
0x6d: {  	_ =	shalt  }
0x6e: {  	_ =	shalt  }
0x6f: {  	_ =	shalt  }
0x70: {  	_ =	shalt  }
0x71: {  	_ =	shalt  }
0x72: {  	_ =	shalt  }
0x73: {  	_ =	shalt  }
0x74: {  	_ =	shalt  }
0x75: {  	_ =	shalt  }
0x76: {  	_ =	shalt  }
0x77: {  	_ =	shalt  }
0x78: {  	_ =	shalt  }
0x79: {  	_ =	shalt  }
0x7a: {  	_ =	shalt  }
0x7b: {  	_ =	shalt  }
0x7c: {  	_ =	shalt  }
0x7d: {  	_ =	shalt  }
0x7e: {  	_ =	shalt  }
0x7f: {  	_ =	shalt  }
0x80: {  	_ =	shalt  }
0x81: {  	_ =	shalt  }
0x82: {  	_ =	shalt  }
0x83: {  	_ =	shalt  }
0x84: {  	_ =	shalt  }
0x85: {  	_ =	shalt  }
0x86: {  	_ =	shalt  }
0x87: {  	_ =	shalt  }
.Lfunc_end0:
.L_simem_size_0:
called_computation_lowered:
.L_overlay_start_0:
0x88: {  	s2 =	sld [smem:$0x3FD9]  }
0x89: {  	s3 =	sld [smem:$0x3FFE];
	_ =	sdelay $0x1  }
0x8a: {  	s1 =	srdreg.scid  }
0x8b: {  	s0 =	sand.u32 $0x1, s1  }
0x8c: {  	s14 =	sshll.u32 s0, $0xA;
	s2 =	sadd.s32 s3, s2  }
0x8d: {  	s2 =	sadd.s32 s2, s14  }
0x8e: {  	[smem:$0x3FB9] =	sst s2  }
0x8f: {  	_ = 	snop  }
0x90: {  	s2 =	sld [smem:$0x3FD0];
	_ =	sdelay $0x2  }
0x91: {  	s4 =	simm.s32 $0xA;
	s5 =	simm.s32 $0x10;
	s15 =	sld [smem:$0x3FC9]  }
0x92: {  	[smem:s5], [sflag:s4] =	dma.local [hbm:s2], $0x1  }
0x93: {  	_ =	swait.eq [sflag:s4], $0x1  }
0x94: {  	[sflag:s4] =	ssyncset.done $0x0  }
0x95: {  	[sflag:s4] =	ssyncadd.s32 $0xFFFFFFFF  }
0x96: {  	s16 =	sld [smem:$0x11];
	(tm) =	ssettm $0x1  }
0x97: {  	s17 =	sld [smem:$0x3FFB];
	_ =	sdelay $0x3  }
0x98: {  	_ =	strace s17  }
0x99: {  	s4 =	sld [smem:$0x3FFC];
	_ =	sdelay $0x3  }
0x9a: {  	_ =	strace s4  }
0x9b: {  	s4 =	sld [smem:$0x3FFD];
	_ =	sdelay $0x3  }
0x9c: {  	_ =	strace s4  }
0x9d: {  	_ =	strace $0x8FFFFFFF  }
0x9e: {  	s18 =	sld [smem:$0x3FDB];
	_ =	sdelay $0x1  }
0x9f: {  	s19 =	simm.s32 $_scs_section_size  }
0xa0: {  	s6 =	simm.s32 $_size__tile_overlayer_lowered;
	s7 =	simm.s32 $_tile_overlayer_lowered  }
0xa1: {  	s22 =	simm.s32 $0x1BFF;
	s21 =	sshll.u32 s7, $0x1;
	s4 =	sadd.s32 s19, s18  }
0xa2: {  	s8 =	simm.s32 $0x0;
	s20 =	sshll.u32 s6, $0x1;
	s6 =	sadd.s32 s21, s4  }
0xa3: {  	[timem:s8], [sflag:s22] =	dma.local [hbm:s6], s20  }
0xa4: {  	_ =	swait.ge [sflag:s22], s20  }
0xa5: {  	s5 =	ssub.s32 $0x0, s20;
	[sflag:s22] =	ssyncset.done $0x0  }
0xa6: {  	[sflag:s22] =	ssyncadd.s32 s5;
	_ =	sdelay $0x1  }
0xa7: {  	s23 =	simm.s32 $0x1B8B  }
0xa8: {  	_ =	swait.ge [sflag:s23], $0x1  }
0xa9: {  	[sflag:s23] =	ssyncset.done $0x0  }
0xaa: {  	s25 =	simm.s32 $0x1B8E;
	s24 =	sld [smem:$0x3FFE];
	[sflag:s23] =	ssyncadd.s32 $0xFFFFFFFF  }
0xab: {  	s26 =	simm.s32 $execute0_lowered;
	[smem:$0x3FD2] =	sst s25  }
0xac: {  	s6 =	sshll.u32 s26, $0x1;
	_ =	strace $0x80000046;
	[dreg:$0x1] =	wrdreg $0xFFFFFFFF  }
0xad: {  	s28 =	simm.s32 $_size_execute0_lowered;
	s4 =	sadd.s32 s4, s6;
	[dreg:$0x0] =	wrdreg $0x0  }
0xae: {  	s6 =	sshll.u32 s28, $0x1;
	[dreg:$0x2] =	wrdreg s4  }
0xaf: {  	[dreg:$0x3] =	wrdreg s6  }
0xb0: {  	[dreg:$0x4] =	wrdreg $0xC0  }
0xb1: {  	_ =	task [dreg:s8], $0x5FFFF  }
0xb2: {  	[dreg:$0x1] =	wrdreg $0xFFFFFFFF  }
0xb3: {  	[dreg:$0x0] =	wrdreg $0x60  }
0xb4: {  	[dreg:$0x2] =	wrdreg s15  }
0xb5: {  	[dreg:$0x3] =	wrdreg s16  }
0xb6: {  	[dreg:$0x4] =	wrdreg s24  }
0xb7: {  	[dreg:$0x5] =	wrdreg $0x9  }
0xb8: {  	_ =	task.clear_ibuf [dreg:s8], $0x6FFFF;
	_ =	strace $0x90000046  }
0xb9: {  	s29 =	simm.s32 $0x9;
	_ =	strace $0x80000048  }
0xba: {  	_ =	swait.ge [sflag:s29], $0x1  }
0xbb: {  	[sflag:s29] =	ssyncadd.s32 $0xFFFFFFFF  }
0xbc: {  	_ =	strace $0x90000048  }
0xbd: {  	_ =	sfence  }
0xbe: {  	s30 =	sld [smem:$0x0];
	_ =	sdelay $0x2  }
0xbf: {  	s31 =	sshll.u32 s1, $0xD;
	s1 =	sshrl.u32 s1, $0x2  }
0xc0: {  	s3 =	sand.u32 $0x4000, s31;
	s1 =	sadd.s32 s1, s30  }
0xc1: {  	s0 =	sor.u32 s3, s0;
	s1 =	sshll.u32 s1, $0x11  }
0xc2: {  	s0 =	sor.u32 s1, s0  }
0xc3: {  	s0 =	sadd.s32 $0x8F2B, s0  }
0xc4: {  	[sflag:s0] =	ssyncadd.remote.s32 $0x1  }
0xc5: {  	_ =	sfence.sel $0xFFFF  }
0xc6: {  	[dreg:$0x0] =	wrdreg $0xFFFFFFFF;
	(pc) =	sbr.abs _section_cstart, $3  }
0xc7: {  	[dreg:$0x1] =	wrdreg $0xFFFFFFFF  }
0xc8: {  	_ =	task.clear_ibuf [dreg:s8], $0x2FFFF;
	_ =	strace $0x9FFFFFFF  }
0xc9: {  	(tm) =	ssettm $0x7FFFFFFF  }
tec
execute0_lowered:
.L_overlay_start_1:
0x0: {  	(tag) =	ssettag $0x1  }
0x1: {  	s0 =	rddreg [dreg:$0x0]  }
0x2: {  	s1 =	rddreg [dreg:$0x1]  }
0x3: {  	s5 =	rddreg [dreg:$0x2]  }
0x4: {  	s3 =	srdreg.scid;
	s2 =	simm.s32 $0x0;
	s6 =	stileid.u32  }
0x5: {  	s30 =	simm.s32 $0x18000;
	s31 =	simm.s32 $0x18080;
	s15 =	simm.s32 $0x6  }
0x6: {  	s9 =	simm.s32 $0xC000;
	s4 =	sand.u32 $0x1, s3;
	[smem:$0x7FF] =	sst s2  }
0x7: {  	s22 =	sshll.u32 s6, $0x5;
	s3 =	sadd.s32 $0x13400, s5;
	s23 =	sshll.u32 s4, $0x4  }
0x8: {  	_ =	strace $0x80000047;
	s4 =	ssub.s32 $0x2, s4;
	[dreg:$0x8] =	wrdreg s30  }
0x9: {  	[dreg:$0x9] =	wrdreg s31;
	s6 =	sor.u32 s23, s22;
	s28 =	sshrl.u32 s4, $0x1  }
0xa: {  	s7 =	sadd.s32 s6, s5;
	s8 =	smul.u32 $0x1800, s6;
	s1 =	sadd.s32 s1, s6  }
0xb: {  	s6 =	smul.u32 $0x300, s6;
	s29 =	ssub.s32 s4, s28;
	s4 =	sadd.s32 $0x13500, s5  }
0xc: {  	[dreg:$0x4] =	wrdreg s1;
	s24 =	sadd.s32 $0x3200, s7;
	s25 =	sshrl.u32 s8, $0x3  }
0xd: {  	v2 =	vlaneseq.u32;
	[dreg:$0x5] =	wrdreg s24;
	s26 =	sadd.s32 s0, s6;
	s0 =	sadd.s32 s0, s25  }
0xe: {  	vm0 =	vmmov $0xffff;
	v1 =	vshrl.u32 v2, $0x3;
	s5 =	sadd.s32 $0x13600, s5;
	[dreg:$0x6] =	wrdreg s26;
	s0 =	sadd.s32 $0x1800, s0  }
0xf: {  	v0 =	vand.u32 $0x7, v2;
	v2 =	vor.u32 $0x8, v2;
	v1 =	vmul.u32 $0x8, v1;
	s7 =	simm.s32 $0x7;
	s6 =	smax.u32 s29, $0x1;
	[dreg:$0x7] =	wrdreg s0  }
.LBB2_1:
0x10: {  	s16 =	rddreg [dreg:$0x4]  }
0x11: {  	s17 =	rddreg [dreg:$0x8]  }
0x12: {  	[tilespmem:s17], [sflag:$0x7] =	stream.linear.gather [hbm4b:s16+s2], $0x80, $0x38;
	[tilespmem:$0x18100] =	vst v63  }
0x13: {  	_ =	swait.ge [sflag:s7], $0x80  }
0x14: {  	s23 =	rddreg [dreg:$0x5];
	[sflag:s7] =	ssyncset.done $0x0  }
0x15: {  	s24 =	rddreg [dreg:$0x9];
	[sflag:s7] =	ssyncadd.s32 $0xFFFFFF80  }
0x16: {  	[tilespmem:s24], [sflag:$0x7] =	stream.linear.gather [hbm4b:s23+s2], $0x80, $0x38;
	[tilespmem:$0x18100] =	vst v63  }
0x17: {  	_ =	swait.ge [sflag:s7], $0x80  }
0x18: {  	[sflag:s7] =	ssyncset.done $0x0  }
0x19: {  	s25 =	rddreg [dreg:$0x6];
	[sflag:s7] =	ssyncadd.s32 $0xFFFFFF80  }
0x1a: {  	[tilespmem:s2], [sflag:$0x1] =	stream.linear.gather [hbm4b:s25+s2], $0xC000, $0x38;
	[tilespmem:$0x18100] =	vst v63  }
0x1b: {  	s0 =	simm.s32 $0x1;
	s26 =	rddreg [dreg:$0x7]  }
0x1c: {  	[tilespmem:s9], [sflag:$0x2] =	stream.linear.gather [hbm4b:s26+s2], $0xC000, $0x38;
	[tilespmem:$0x18100] =	vst v63  }
0x1d: {  	_ =	swait.ge [sflag:s0], $0xC000  }
0x1e: {  	[sflag:s0] =	ssyncset.done $0x0  }
0x1f: {  	[sflag:s0] =	ssyncadd.s32 $0xFFFF4000  }
0x20: {  	v3 =	vld [tilespmem:$0x18000];
	_ =	sdelay $0x4  }
0x21: {  	v4 =	vshrl.u32 v3, $0x3  }
0x22: {  	v4 =	vmul.u32 $0x30, v4  }
0x23: {  	v3 =	vand.u32 $0x7, v3  }
0x24: {  	v3 =	vor.u32 v3, v4  }
0x25: {  	v4 =	vperm.xlane v3, v0;
	_ =	sdelay $0x1  }
0x26: {  	v4 =	vadd.s32 v1, v4;
	_ =	sdelay $0x3  }
0x27: {  	v3 =	vperm.xlane v3, v2  }
0x28: {  	[hbm4b:s3+s2] =	stream.indirect_vreg.scatter [tilespmem:s2], [sflag:$0x3], $0x80, v4, vm0, $0xb8;
	[tilespmem:$0x18100] =	vst v63  }
0x29: {  	s16 =	simm.s32 $0x800;
	v3 =	vadd.s32 v1, v3  }
0x2a: {  	[hbm4b:s4+s2] =	stream.indirect_vreg.scatter [tilespmem:s16], [sflag:$0x3], $0x80, v4, vm0, $0xb8;
	[tilespmem:$0x18100] =	vst v63  }
0x2b: {  	s17 =	simm.s32 $0x1000  }
0x2c: {  	[hbm4b:s5+s2] =	stream.indirect_vreg.scatter [tilespmem:s17], [sflag:$0x3], $0x80, v4, vm0, $0xb8;
	[tilespmem:$0x18100] =	vst v63  }
0x2d: {  	s18 =	simm.s32 $0x1800  }
0x2e: {  	[hbm4b:s3+s2] =	stream.indirect_vreg.scatter [tilespmem:s18], [sflag:$0x3], $0x80, v3, vm0, $0xb8;
	[tilespmem:$0x18100] =	vst v63  }
0x2f: {  	s19 =	simm.s32 $0x2000  }
0x30: {  	[hbm4b:s4+s2] =	stream.indirect_vreg.scatter [tilespmem:s19], [sflag:$0x3], $0x80, v3, vm0, $0xb8;
	[tilespmem:$0x18100] =	vst v63  }
0x31: {  	s20 =	simm.s32 $0x2800  }
0x32: {  	[hbm4b:s5+s2] =	stream.indirect_vreg.scatter [tilespmem:s20], [sflag:$0x3], $0x80, v3, vm0, $0xb8;
	[tilespmem:$0x18100] =	vst v63  }
0x33: {  	v3 =	vld [tilespmem:$0x18010];
	_ =	sdelay $0x4  }
0x34: {  	v49 =	vshrl.u32 v3, $0x3  }
0x35: {  	v4 =	vmul.u32 $0x30, v49  }
0x36: {  	v3 =	vand.u32 $0x7, v3  }
0x37: {  	v3 =	vor.u32 v3, v4  }
0x38: {  	v4 =	vperm.xlane v3, v0;
	_ =	sdelay $0x1  }
0x39: {  	v4 =	vadd.s32 v1, v4;
	_ =	sdelay $0x3  }
0x3a: {  	s21 =	simm.s32 $0x3000;
	v3 =	vperm.xlane v3, v2  }
0x3b: {  	[hbm4b:s3+s2] =	stream.indirect_vreg.scatter [tilespmem:s21], [sflag:$0x3], $0x80, v4, vm0, $0xb8;
	[tilespmem:$0x18100] =	vst v63  }
0x3c: {  	s22 =	simm.s32 $0x3800;
	v3 =	vadd.s32 v1, v3  }
0x3d: {  	[hbm4b:s4+s2] =	stream.indirect_vreg.scatter [tilespmem:s22], [sflag:$0x3], $0x80, v4, vm0, $0xb8;
	[tilespmem:$0x18100] =	vst v63  }
0x3e: {  	s23 =	simm.s32 $0x4000  }
0x3f: {  	[hbm4b:s5+s2] =	stream.indirect_vreg.scatter [tilespmem:s23], [sflag:$0x3], $0x80, v4, vm0, $0xb8;
	[tilespmem:$0x18100] =	vst v63  }
0x40: {  	s24 =	simm.s32 $0x4800  }
0x41: {  	[hbm4b:s3+s2] =	stream.indirect_vreg.scatter [tilespmem:s24], [sflag:$0x3], $0x80, v3, vm0, $0xb8;
	[tilespmem:$0x18100] =	vst v63  }
0x42: {  	s25 =	simm.s32 $0x5000  }
0x43: {  	[hbm4b:s4+s2] =	stream.indirect_vreg.scatter [tilespmem:s25], [sflag:$0x3], $0x80, v3, vm0, $0xb8;
	[tilespmem:$0x18100] =	vst v63  }
0x44: {  	s26 =	simm.s32 $0x5800  }
0x45: {  	[hbm4b:s5+s2] =	stream.indirect_vreg.scatter [tilespmem:s26], [sflag:$0x3], $0x80, v3, vm0, $0xb8;
	[tilespmem:$0x18100] =	vst v63  }
0x46: {  	v3 =	vld [tilespmem:$0x18020];
	_ =	sdelay $0x4  }
0x47: {  	v50 =	vshrl.u32 v3, $0x3  }
0x48: {  	v4 =	vmul.u32 $0x30, v50  }
0x49: {  	v3 =	vand.u32 $0x7, v3  }
0x4a: {  	v3 =	vor.u32 v3, v4  }
0x4b: {  	v4 =	vperm.xlane v3, v0;
	_ =	sdelay $0x1  }
0x4c: {  	v4 =	vadd.s32 v1, v4;
	_ =	sdelay $0x3  }
0x4d: {  	s28 =	simm.s32 $0x6000;
	v3 =	vperm.xlane v3, v2  }
0x4e: {  	[hbm4b:s3+s2] =	stream.indirect_vreg.scatter [tilespmem:s28], [sflag:$0x3], $0x80, v4, vm0, $0xb8;
	[tilespmem:$0x18100] =	vst v63  }
0x4f: {  	s29 =	simm.s32 $0x6800;
	v3 =	vadd.s32 v1, v3  }
0x50: {  	[hbm4b:s4+s2] =	stream.indirect_vreg.scatter [tilespmem:s29], [sflag:$0x3], $0x80, v4, vm0, $0xb8;
	[tilespmem:$0x18100] =	vst v63  }
0x51: {  	s30 =	simm.s32 $0x7000  }
0x52: {  	[hbm4b:s5+s2] =	stream.indirect_vreg.scatter [tilespmem:s30], [sflag:$0x3], $0x80, v4, vm0, $0xb8;
	[tilespmem:$0x18100] =	vst v63  }
0x53: {  	s31 =	simm.s32 $0x7800  }
0x54: {  	[hbm4b:s3+s2] =	stream.indirect_vreg.scatter [tilespmem:s31], [sflag:$0x3], $0x80, v3, vm0, $0xb8;
	[tilespmem:$0x18100] =	vst v63  }
0x55: {  	s0 =	simm.s32 $0x8000  }
0x56: {  	[hbm4b:s4+s2] =	stream.indirect_vreg.scatter [tilespmem:s0], [sflag:$0x3], $0x80, v3, vm0, $0xb8;
	[tilespmem:$0x18100] =	vst v63  }
0x57: {  	s1 =	simm.s32 $0x8800  }
0x58: {  	[hbm4b:s5+s2] =	stream.indirect_vreg.scatter [tilespmem:s1], [sflag:$0x3], $0x80, v3, vm0, $0xb8;
	[tilespmem:$0x18100] =	vst v63  }
0x59: {  	v3 =	vld [tilespmem:$0x18030];
	_ =	sdelay $0x4  }
0x5a: {  	v51 =	vshrl.u32 v3, $0x3  }
0x5b: {  	v4 =	vmul.u32 $0x30, v51  }
0x5c: {  	v3 =	vand.u32 $0x7, v3  }
0x5d: {  	v3 =	vor.u32 v3, v4  }
0x5e: {  	v4 =	vperm.xlane v3, v0;
	_ =	sdelay $0x1  }
0x5f: {  	v4 =	vadd.s32 v1, v4;
	_ =	sdelay $0x3  }
0x60: {  	s11 =	simm.s32 $0x9000;
	v3 =	vperm.xlane v3, v2  }
0x61: {  	[hbm4b:s3+s2] =	stream.indirect_vreg.scatter [tilespmem:s11], [sflag:$0x3], $0x80, v4, vm0, $0xb8;
	[tilespmem:$0x18100] =	vst v63  }
0x62: {  	s8 =	simm.s32 $0x9800;
	v3 =	vadd.s32 v1, v3  }
0x63: {  	[hbm4b:s4+s2] =	stream.indirect_vreg.scatter [tilespmem:s8], [sflag:$0x3], $0x80, v4, vm0, $0xb8;
	[tilespmem:$0x18100] =	vst v63  }
0x64: {  	s10 =	simm.s32 $0xA000  }
0x65: {  	[hbm4b:s5+s2] =	stream.indirect_vreg.scatter [tilespmem:s10], [sflag:$0x3], $0x80, v4, vm0, $0xb8;
	[tilespmem:$0x18100] =	vst v63  }
0x66: {  	s12 =	simm.s32 $0xA800  }
0x67: {  	[hbm4b:s3+s2] =	stream.indirect_vreg.scatter [tilespmem:s12], [sflag:$0x3], $0x80, v3, vm0, $0xb8;
	[tilespmem:$0x18100] =	vst v63  }
0x68: {  	s13 =	simm.s32 $0xB000  }
0x69: {  	[hbm4b:s4+s2] =	stream.indirect_vreg.scatter [tilespmem:s13], [sflag:$0x3], $0x80, v3, vm0, $0xb8;
	[tilespmem:$0x18100] =	vst v63  }
0x6a: {  	s14 =	simm.s32 $0xB800  }
0x6b: {  	[hbm4b:s5+s2] =	stream.indirect_vreg.scatter [tilespmem:s14], [sflag:$0x3], $0x80, v3, vm0, $0xb8;
	[tilespmem:$0x18100] =	vst v63  }
0x6c: {  	v3 =	vld [tilespmem:$0x18080];
	_ =	sdelay $0x4  }
0x6d: {  	v52 =	vshrl.u32 v3, $0x3  }
0x6e: {  	v4 =	vmul.u32 $0x30, v52  }
0x6f: {  	v3 =	vand.u32 $0x7, v3  }
0x70: {  	v3 =	vor.u32 v3, v4  }
0x71: {  	v4 =	vperm.xlane v3, v0;
	_ =	sdelay $0x1  }
0x72: {  	v4 =	vadd.s32 v1, v4;
	_ =	sdelay $0x3  }
0x73: {  	v3 =	vperm.xlane v3, v2  }
0x74: {  	[hbm4b:s3+s2] =	stream.indirect_vreg.scatter [tilespmem:s2], [sflag:$0x5], $0x80, v4, vm0, $0xb8;
	[tilespmem:$0x18100] =	vst v63  }
0x75: {  	v3 =	vadd.s32 v1, v3  }
0x76: {  	[hbm4b:s4+s2] =	stream.indirect_vreg.scatter [tilespmem:s16], [sflag:$0x5], $0x80, v4, vm0, $0xb8;
	[tilespmem:$0x18100] =	vst v63  }
0x77: {  	_ = 	snop  }
0x78: {  	[hbm4b:s5+s2] =	stream.indirect_vreg.scatter [tilespmem:s17], [sflag:$0x5], $0x80, v4, vm0, $0xb8;
	[tilespmem:$0x18100] =	vst v63  }
0x79: {  	_ = 	snop  }
0x7a: {  	[hbm4b:s3+s2] =	stream.indirect_vreg.scatter [tilespmem:s18], [sflag:$0x5], $0x80, v3, vm0, $0xb8;
	[tilespmem:$0x18100] =	vst v63  }
0x7b: {  	_ = 	snop  }
0x7c: {  	[hbm4b:s4+s2] =	stream.indirect_vreg.scatter [tilespmem:s19], [sflag:$0x5], $0x80, v3, vm0, $0xb8;
	[tilespmem:$0x18100] =	vst v63  }
0x7d: {  	_ = 	snop  }
0x7e: {  	[hbm4b:s5+s2] =	stream.indirect_vreg.scatter [tilespmem:s20], [sflag:$0x5], $0x80, v3, vm0, $0xb8;
	[tilespmem:$0x18100] =	vst v63  }
0x7f: {  	v3 =	vld [tilespmem:$0x18090];
	_ =	sdelay $0x4  }
0x80: {  	v53 =	vshrl.u32 v3, $0x3  }
0x81: {  	v4 =	vmul.u32 $0x30, v53  }
0x82: {  	v3 =	vand.u32 $0x7, v3  }
0x83: {  	v3 =	vor.u32 v3, v4  }
0x84: {  	v4 =	vperm.xlane v3, v0;
	_ =	sdelay $0x1  }
0x85: {  	v4 =	vadd.s32 v1, v4;
	_ =	sdelay $0x3  }
0x86: {  	v3 =	vperm.xlane v3, v2  }
0x87: {  	[hbm4b:s3+s2] =	stream.indirect_vreg.scatter [tilespmem:s21], [sflag:$0x5], $0x80, v4, vm0, $0xb8;
	[tilespmem:$0x18100] =	vst v63  }
0x88: {  	v3 =	vadd.s32 v1, v3  }
0x89: {  	[hbm4b:s4+s2] =	stream.indirect_vreg.scatter [tilespmem:s22], [sflag:$0x5], $0x80, v4, vm0, $0xb8;
	[tilespmem:$0x18100] =	vst v63  }
0x8a: {  	_ = 	snop  }
0x8b: {  	[hbm4b:s5+s2] =	stream.indirect_vreg.scatter [tilespmem:s23], [sflag:$0x5], $0x80, v4, vm0, $0xb8;
	[tilespmem:$0x18100] =	vst v63  }
0x8c: {  	_ = 	snop  }
0x8d: {  	[hbm4b:s3+s2] =	stream.indirect_vreg.scatter [tilespmem:s24], [sflag:$0x5], $0x80, v3, vm0, $0xb8;
	[tilespmem:$0x18100] =	vst v63  }
0x8e: {  	_ = 	snop  }
0x8f: {  	[hbm4b:s4+s2] =	stream.indirect_vreg.scatter [tilespmem:s25], [sflag:$0x5], $0x80, v3, vm0, $0xb8;
	[tilespmem:$0x18100] =	vst v63  }
0x90: {  	_ = 	snop  }
0x91: {  	[hbm4b:s5+s2] =	stream.indirect_vreg.scatter [tilespmem:s26], [sflag:$0x5], $0x80, v3, vm0, $0xb8;
	[tilespmem:$0x18100] =	vst v63  }
0x92: {  	v3 =	vld [tilespmem:$0x180A0];
	_ =	sdelay $0x4  }
0x93: {  	v54 =	vshrl.u32 v3, $0x3  }
0x94: {  	v4 =	vmul.u32 $0x30, v54  }
0x95: {  	v3 =	vand.u32 $0x7, v3  }
0x96: {  	v3 =	vor.u32 v3, v4  }
0x97: {  	v4 =	vperm.xlane v3, v0;
	_ =	sdelay $0x1  }
0x98: {  	v4 =	vadd.s32 v1, v4;
	_ =	sdelay $0x3  }
0x99: {  	v3 =	vperm.xlane v3, v2  }
0x9a: {  	[hbm4b:s3+s2] =	stream.indirect_vreg.scatter [tilespmem:s28], [sflag:$0x5], $0x80, v4, vm0, $0xb8;
	[tilespmem:$0x18100] =	vst v63  }
0x9b: {  	v3 =	vadd.s32 v1, v3  }
0x9c: {  	[hbm4b:s4+s2] =	stream.indirect_vreg.scatter [tilespmem:s29], [sflag:$0x5], $0x80, v4, vm0, $0xb8;
	[tilespmem:$0x18100] =	vst v63  }
0x9d: {  	_ = 	snop  }
0x9e: {  	[hbm4b:s5+s2] =	stream.indirect_vreg.scatter [tilespmem:s30], [sflag:$0x5], $0x80, v4, vm0, $0xb8;
	[tilespmem:$0x18100] =	vst v63  }
0x9f: {  	_ = 	snop  }
0xa0: {  	[hbm4b:s3+s2] =	stream.indirect_vreg.scatter [tilespmem:s31], [sflag:$0x5], $0x80, v3, vm0, $0xb8;
	[tilespmem:$0x18100] =	vst v63  }
0xa1: {  	_ = 	snop  }
0xa2: {  	[hbm4b:s4+s2] =	stream.indirect_vreg.scatter [tilespmem:s0], [sflag:$0x5], $0x80, v3, vm0, $0xb8;
	[tilespmem:$0x18100] =	vst v63  }
0xa3: {  	_ = 	snop  }
0xa4: {  	[hbm4b:s5+s2] =	stream.indirect_vreg.scatter [tilespmem:s1], [sflag:$0x5], $0x80, v3, vm0, $0xb8;
	[tilespmem:$0x18100] =	vst v63  }
0xa5: {  	v3 =	vld [tilespmem:$0x180B0];
	_ =	sdelay $0x4  }
0xa6: {  	v55 =	vshrl.u32 v3, $0x3  }
0xa7: {  	v4 =	vmul.u32 $0x30, v55  }
0xa8: {  	v3 =	vand.u32 $0x7, v3  }
0xa9: {  	v3 =	vor.u32 v3, v4  }
0xaa: {  	v4 =	vperm.xlane v3, v0;
	_ =	sdelay $0x1  }
0xab: {  	v4 =	vadd.s32 v1, v4;
	_ =	sdelay $0x3  }
0xac: {  	v3 =	vperm.xlane v3, v2  }
0xad: {  	[hbm4b:s3+s2] =	stream.indirect_vreg.scatter [tilespmem:s11], [sflag:$0x5], $0x80, v4, vm0, $0xb8;
	[tilespmem:$0x18100] =	vst v63  }
0xae: {  	v3 =	vadd.s32 v1, v3  }
0xaf: {  	[hbm4b:s4+s2] =	stream.indirect_vreg.scatter [tilespmem:s8], [sflag:$0x5], $0x80, v4, vm0, $0xb8;
	[tilespmem:$0x18100] =	vst v63  }
0xb0: {  	_ = 	snop  }
0xb1: {  	[hbm4b:s5+s2] =	stream.indirect_vreg.scatter [tilespmem:s10], [sflag:$0x5], $0x80, v4, vm0, $0xb8;
	[tilespmem:$0x18100] =	vst v63  }
0xb2: {  	_ = 	snop  }
0xb3: {  	[hbm4b:s3+s2] =	stream.indirect_vreg.scatter [tilespmem:s12], [sflag:$0x5], $0x80, v3, vm0, $0xb8;
	[tilespmem:$0x18100] =	vst v63  }
0xb4: {  	_ = 	snop  }
0xb5: {  	[hbm4b:s4+s2] =	stream.indirect_vreg.scatter [tilespmem:s13], [sflag:$0x5], $0x80, v3, vm0, $0xb8;
	[tilespmem:$0x18100] =	vst v63  }
0xb6: {  	s28 =	simm.s32 $0x2  }
0xb7: {  	[hbm4b:s5+s2] =	stream.indirect_vreg.scatter [tilespmem:s14], [sflag:$0x5], $0x80, v3, vm0, $0xb8;
	[tilespmem:$0x18100] =	vst v63  }
0xb8: {  	_ =	swait.ge [sflag:s28], $0xC000  }
0xb9: {  	[sflag:s28] =	ssyncset.done $0x0  }
0xba: {  	[sflag:s28] =	ssyncadd.s32 $0xFFFF4000  }
0xbb: {  	v3 =	vld [tilespmem:$0x18040];
	_ =	sdelay $0x4  }
0xbc: {  	v56 =	vshrl.u32 v3, $0x3  }
0xbd: {  	v4 =	vmul.u32 $0x30, v56  }
0xbe: {  	v3 =	vand.u32 $0x7, v3  }
0xbf: {  	v3 =	vor.u32 v3, v4  }
0xc0: {  	v4 =	vperm.xlane v3, v0;
	_ =	sdelay $0x1  }
0xc1: {  	v4 =	vadd.s32 v1, v4;
	_ =	sdelay $0x3  }
0xc2: {  	v3 =	vperm.xlane v3, v2  }
0xc3: {  	[hbm4b:s3+s2] =	stream.indirect_vreg.scatter [tilespmem:s9], [sflag:$0x4], $0x80, v4, vm0, $0xb8;
	[tilespmem:$0x18100] =	vst v63  }
0xc4: {  	s0 =	simm.s32 $0xC800;
	v3 =	vadd.s32 v1, v3  }
0xc5: {  	[hbm4b:s4+s2] =	stream.indirect_vreg.scatter [tilespmem:s0], [sflag:$0x4], $0x80, v4, vm0, $0xb8;
	[tilespmem:$0x18100] =	vst v63  }
0xc6: {  	s1 =	simm.s32 $0xD000  }
0xc7: {  	[hbm4b:s5+s2] =	stream.indirect_vreg.scatter [tilespmem:s1], [sflag:$0x4], $0x80, v4, vm0, $0xb8;
	[tilespmem:$0x18100] =	vst v63  }
0xc8: {  	s8 =	simm.s32 $0xD800  }
0xc9: {  	[hbm4b:s3+s2] =	stream.indirect_vreg.scatter [tilespmem:s8], [sflag:$0x4], $0x80, v3, vm0, $0xb8;
	[tilespmem:$0x18100] =	vst v63  }
0xca: {  	s10 =	simm.s32 $0xE000  }
0xcb: {  	[hbm4b:s4+s2] =	stream.indirect_vreg.scatter [tilespmem:s10], [sflag:$0x4], $0x80, v3, vm0, $0xb8;
	[tilespmem:$0x18100] =	vst v63  }
0xcc: {  	s11 =	simm.s32 $0xE800  }
0xcd: {  	[hbm4b:s5+s2] =	stream.indirect_vreg.scatter [tilespmem:s11], [sflag:$0x4], $0x80, v3, vm0, $0xb8;
	[tilespmem:$0x18100] =	vst v63  }
0xce: {  	v3 =	vld [tilespmem:$0x18050];
	_ =	sdelay $0x4  }
0xcf: {  	v57 =	vshrl.u32 v3, $0x3  }
0xd0: {  	v4 =	vmul.u32 $0x30, v57  }
0xd1: {  	v3 =	vand.u32 $0x7, v3  }
0xd2: {  	v3 =	vor.u32 v3, v4  }
0xd3: {  	v4 =	vperm.xlane v3, v0;
	_ =	sdelay $0x1  }
0xd4: {  	v4 =	vadd.s32 v1, v4;
	_ =	sdelay $0x3  }
0xd5: {  	s12 =	simm.s32 $0xF000;
	v3 =	vperm.xlane v3, v2  }
0xd6: {  	[hbm4b:s3+s2] =	stream.indirect_vreg.scatter [tilespmem:s12], [sflag:$0x4], $0x80, v4, vm0, $0xb8;
	[tilespmem:$0x18100] =	vst v63  }
0xd7: {  	s13 =	simm.s32 $0xF800;
	v3 =	vadd.s32 v1, v3  }
0xd8: {  	[hbm4b:s4+s2] =	stream.indirect_vreg.scatter [tilespmem:s13], [sflag:$0x4], $0x80, v4, vm0, $0xb8;
	[tilespmem:$0x18100] =	vst v63  }
0xd9: {  	s14 =	simm.s32 $0x10000  }
0xda: {  	[hbm4b:s5+s2] =	stream.indirect_vreg.scatter [tilespmem:s14], [sflag:$0x4], $0x80, v4, vm0, $0xb8;
	[tilespmem:$0x18100] =	vst v63  }
0xdb: {  	s16 =	simm.s32 $0x10800  }
0xdc: {  	[hbm4b:s3+s2] =	stream.indirect_vreg.scatter [tilespmem:s16], [sflag:$0x4], $0x80, v3, vm0, $0xb8;
	[tilespmem:$0x18100] =	vst v63  }
0xdd: {  	s17 =	simm.s32 $0x11000  }
0xde: {  	[hbm4b:s4+s2] =	stream.indirect_vreg.scatter [tilespmem:s17], [sflag:$0x4], $0x80, v3, vm0, $0xb8;
	[tilespmem:$0x18100] =	vst v63  }
0xdf: {  	s18 =	simm.s32 $0x11800  }
0xe0: {  	[hbm4b:s5+s2] =	stream.indirect_vreg.scatter [tilespmem:s18], [sflag:$0x4], $0x80, v3, vm0, $0xb8;
	[tilespmem:$0x18100] =	vst v63  }
0xe1: {  	v3 =	vld [tilespmem:$0x18060];
	_ =	sdelay $0x4  }
0xe2: {  	v58 =	vshrl.u32 v3, $0x3  }
0xe3: {  	v4 =	vmul.u32 $0x30, v58  }
0xe4: {  	v3 =	vand.u32 $0x7, v3  }
0xe5: {  	v3 =	vor.u32 v3, v4  }
0xe6: {  	v4 =	vperm.xlane v3, v0;
	_ =	sdelay $0x1  }
0xe7: {  	v4 =	vadd.s32 v1, v4;
	_ =	sdelay $0x3  }
0xe8: {  	s19 =	simm.s32 $0x12000;
	v3 =	vperm.xlane v3, v2  }
0xe9: {  	[hbm4b:s3+s2] =	stream.indirect_vreg.scatter [tilespmem:s19], [sflag:$0x4], $0x80, v4, vm0, $0xb8;
	[tilespmem:$0x18100] =	vst v63  }
0xea: {  	s20 =	simm.s32 $0x12800;
	v3 =	vadd.s32 v1, v3  }
0xeb: {  	[hbm4b:s4+s2] =	stream.indirect_vreg.scatter [tilespmem:s20], [sflag:$0x4], $0x80, v4, vm0, $0xb8;
	[tilespmem:$0x18100] =	vst v63  }
0xec: {  	s21 =	simm.s32 $0x13000  }
0xed: {  	[hbm4b:s5+s2] =	stream.indirect_vreg.scatter [tilespmem:s21], [sflag:$0x4], $0x80, v4, vm0, $0xb8;
	[tilespmem:$0x18100] =	vst v63  }
0xee: {  	s22 =	simm.s32 $0x13800  }
0xef: {  	[hbm4b:s3+s2] =	stream.indirect_vreg.scatter [tilespmem:s22], [sflag:$0x4], $0x80, v3, vm0, $0xb8;
	[tilespmem:$0x18100] =	vst v63  }
0xf0: {  	s23 =	simm.s32 $0x14000  }
0xf1: {  	[hbm4b:s4+s2] =	stream.indirect_vreg.scatter [tilespmem:s23], [sflag:$0x4], $0x80, v3, vm0, $0xb8;
	[tilespmem:$0x18100] =	vst v63  }
0xf2: {  	s24 =	simm.s32 $0x14800  }
0xf3: {  	[hbm4b:s5+s2] =	stream.indirect_vreg.scatter [tilespmem:s24], [sflag:$0x4], $0x80, v3, vm0, $0xb8;
	[tilespmem:$0x18100] =	vst v63  }
0xf4: {  	v3 =	vld [tilespmem:$0x18070];
	_ =	sdelay $0x4  }
0xf5: {  	v59 =	vshrl.u32 v3, $0x3  }
0xf6: {  	v4 =	vmul.u32 $0x30, v59  }
0xf7: {  	v3 =	vand.u32 $0x7, v3  }
0xf8: {  	v3 =	vor.u32 v3, v4  }
0xf9: {  	v4 =	vperm.xlane v3, v0;
	_ =	sdelay $0x1  }
0xfa: {  	v4 =	vadd.s32 v1, v4;
	_ =	sdelay $0x3  }
0xfb: {  	s25 =	simm.s32 $0x15000;
	v3 =	vperm.xlane v3, v2  }
0xfc: {  	[hbm4b:s3+s2] =	stream.indirect_vreg.scatter [tilespmem:s25], [sflag:$0x4], $0x80, v4, vm0, $0xb8;
	[tilespmem:$0x18100] =	vst v63  }
0xfd: {  	s26 =	simm.s32 $0x15800;
	v3 =	vadd.s32 v1, v3  }
0xfe: {  	[hbm4b:s4+s2] =	stream.indirect_vreg.scatter [tilespmem:s26], [sflag:$0x4], $0x80, v4, vm0, $0xb8;
	[tilespmem:$0x18100] =	vst v63  }
0xff: {  	s28 =	simm.s32 $0x16000  }
0x100: {  	[hbm4b:s5+s2] =	stream.indirect_vreg.scatter [tilespmem:s28], [sflag:$0x4], $0x80, v4, vm0, $0xb8;
	[tilespmem:$0x18100] =	vst v63  }
0x101: {  	s29 =	simm.s32 $0x16800  }
0x102: {  	[hbm4b:s3+s2] =	stream.indirect_vreg.scatter [tilespmem:s29], [sflag:$0x4], $0x80, v3, vm0, $0xb8;
	[tilespmem:$0x18100] =	vst v63  }
0x103: {  	s30 =	simm.s32 $0x17000  }
0x104: {  	[hbm4b:s4+s2] =	stream.indirect_vreg.scatter [tilespmem:s30], [sflag:$0x4], $0x80, v3, vm0, $0xb8;
	[tilespmem:$0x18100] =	vst v63  }
0x105: {  	s31 =	simm.s32 $0x17800  }
0x106: {  	[hbm4b:s5+s2] =	stream.indirect_vreg.scatter [tilespmem:s31], [sflag:$0x4], $0x80, v3, vm0, $0xb8;
	[tilespmem:$0x18100] =	vst v63  }
0x107: {  	v3 =	vld [tilespmem:$0x180C0];
	_ =	sdelay $0x4  }
0x108: {  	v60 =	vshrl.u32 v3, $0x3  }
0x109: {  	v4 =	vmul.u32 $0x30, v60  }
0x10a: {  	v3 =	vand.u32 $0x7, v3  }
0x10b: {  	v3 =	vor.u32 v3, v4  }
0x10c: {  	v4 =	vperm.xlane v3, v0;
	_ =	sdelay $0x1  }
0x10d: {  	v4 =	vadd.s32 v1, v4;
	_ =	sdelay $0x3  }
0x10e: {  	v3 =	vperm.xlane v3, v2  }
0x10f: {  	[hbm4b:s3+s2] =	stream.indirect_vreg.scatter [tilespmem:s9], [sflag:$0x6], $0x80, v4, vm0, $0xb8;
	[tilespmem:$0x18100] =	vst v63  }
0x110: {  	v3 =	vadd.s32 v1, v3  }
0x111: {  	[hbm4b:s4+s2] =	stream.indirect_vreg.scatter [tilespmem:s0], [sflag:$0x6], $0x80, v4, vm0, $0xb8;
	[tilespmem:$0x18100] =	vst v63  }
0x112: {  	_ = 	snop  }
0x113: {  	[hbm4b:s5+s2] =	stream.indirect_vreg.scatter [tilespmem:s1], [sflag:$0x6], $0x80, v4, vm0, $0xb8;
	[tilespmem:$0x18100] =	vst v63  }
0x114: {  	_ = 	snop  }
0x115: {  	[hbm4b:s3+s2] =	stream.indirect_vreg.scatter [tilespmem:s8], [sflag:$0x6], $0x80, v3, vm0, $0xb8;
	[tilespmem:$0x18100] =	vst v63  }
0x116: {  	_ = 	snop  }
0x117: {  	[hbm4b:s4+s2] =	stream.indirect_vreg.scatter [tilespmem:s10], [sflag:$0x6], $0x80, v3, vm0, $0xb8;
	[tilespmem:$0x18100] =	vst v63  }
0x118: {  	_ = 	snop  }
0x119: {  	[hbm4b:s5+s2] =	stream.indirect_vreg.scatter [tilespmem:s11], [sflag:$0x6], $0x80, v3, vm0, $0xb8;
	[tilespmem:$0x18100] =	vst v63  }
0x11a: {  	v3 =	vld [tilespmem:$0x180D0];
	_ =	sdelay $0x4  }
0x11b: {  	v61 =	vshrl.u32 v3, $0x3  }
0x11c: {  	v4 =	vmul.u32 $0x30, v61  }
0x11d: {  	v3 =	vand.u32 $0x7, v3  }
0x11e: {  	v3 =	vor.u32 v3, v4  }
0x11f: {  	v4 =	vperm.xlane v3, v0;
	_ =	sdelay $0x1  }
0x120: {  	v4 =	vadd.s32 v1, v4;
	_ =	sdelay $0x3  }
0x121: {  	v3 =	vperm.xlane v3, v2  }
0x122: {  	[hbm4b:s3+s2] =	stream.indirect_vreg.scatter [tilespmem:s12], [sflag:$0x6], $0x80, v4, vm0, $0xb8;
	[tilespmem:$0x18100] =	vst v63  }
0x123: {  	v3 =	vadd.s32 v1, v3  }
0x124: {  	[hbm4b:s4+s2] =	stream.indirect_vreg.scatter [tilespmem:s13], [sflag:$0x6], $0x80, v4, vm0, $0xb8;
	[tilespmem:$0x18100] =	vst v63  }
0x125: {  	_ = 	snop  }
0x126: {  	[hbm4b:s5+s2] =	stream.indirect_vreg.scatter [tilespmem:s14], [sflag:$0x6], $0x80, v4, vm0, $0xb8;
	[tilespmem:$0x18100] =	vst v63  }
0x127: {  	_ = 	snop  }
0x128: {  	[hbm4b:s3+s2] =	stream.indirect_vreg.scatter [tilespmem:s16], [sflag:$0x6], $0x80, v3, vm0, $0xb8;
	[tilespmem:$0x18100] =	vst v63  }
0x129: {  	_ = 	snop  }
0x12a: {  	[hbm4b:s4+s2] =	stream.indirect_vreg.scatter [tilespmem:s17], [sflag:$0x6], $0x80, v3, vm0, $0xb8;
	[tilespmem:$0x18100] =	vst v63  }
0x12b: {  	_ = 	snop  }
0x12c: {  	[hbm4b:s5+s2] =	stream.indirect_vreg.scatter [tilespmem:s18], [sflag:$0x6], $0x80, v3, vm0, $0xb8;
	[tilespmem:$0x18100] =	vst v63  }
0x12d: {  	v3 =	vld [tilespmem:$0x180E0];
	_ =	sdelay $0x4  }
0x12e: {  	v62 =	vshrl.u32 v3, $0x3  }
0x12f: {  	v4 =	vmul.u32 $0x30, v62  }
0x130: {  	v3 =	vand.u32 $0x7, v3  }
0x131: {  	v3 =	vor.u32 v3, v4  }
0x132: {  	v4 =	vperm.xlane v3, v0;
	_ =	sdelay $0x1  }
0x133: {  	v4 =	vadd.s32 v1, v4;
	_ =	sdelay $0x3  }
0x134: {  	v3 =	vperm.xlane v3, v2  }
0x135: {  	[hbm4b:s3+s2] =	stream.indirect_vreg.scatter [tilespmem:s19], [sflag:$0x6], $0x80, v4, vm0, $0xb8;
	[tilespmem:$0x18100] =	vst v63  }
0x136: {  	v3 =	vadd.s32 v1, v3  }
0x137: {  	[hbm4b:s4+s2] =	stream.indirect_vreg.scatter [tilespmem:s20], [sflag:$0x6], $0x80, v4, vm0, $0xb8;
	[tilespmem:$0x18100] =	vst v63  }
0x138: {  	_ = 	snop  }
0x139: {  	[hbm4b:s5+s2] =	stream.indirect_vreg.scatter [tilespmem:s21], [sflag:$0x6], $0x80, v4, vm0, $0xb8;
	[tilespmem:$0x18100] =	vst v63  }
0x13a: {  	_ = 	snop  }
0x13b: {  	[hbm4b:s3+s2] =	stream.indirect_vreg.scatter [tilespmem:s22], [sflag:$0x6], $0x80, v3, vm0, $0xb8;
	[tilespmem:$0x18100] =	vst v63  }
0x13c: {  	_ = 	snop  }
0x13d: {  	[hbm4b:s4+s2] =	stream.indirect_vreg.scatter [tilespmem:s23], [sflag:$0x6], $0x80, v3, vm0, $0xb8;
	[tilespmem:$0x18100] =	vst v63  }
0x13e: {  	_ = 	snop  }
0x13f: {  	[hbm4b:s5+s2] =	stream.indirect_vreg.scatter [tilespmem:s24], [sflag:$0x6], $0x80, v3, vm0, $0xb8;
	[tilespmem:$0x18100] =	vst v63  }
0x140: {  	v3 =	vld [tilespmem:$0x180F0];
	_ =	sdelay $0x4  }
0x141: {  	v63 =	vshrl.u32 v3, $0x3  }
0x142: {  	v4 =	vmul.u32 $0x30, v63  }
0x143: {  	v3 =	vand.u32 $0x7, v3  }
0x144: {  	v3 =	vor.u32 v3, v4  }
0x145: {  	v4 =	vperm.xlane v3, v0;
	_ =	sdelay $0x1  }
0x146: {  	v4 =	vadd.s32 v1, v4;
	_ =	sdelay $0x3  }
0x147: {  	v3 =	vperm.xlane v3, v2  }
0x148: {  	[hbm4b:s3+s2] =	stream.indirect_vreg.scatter [tilespmem:s25], [sflag:$0x6], $0x80, v4, vm0, $0xb8;
	[tilespmem:$0x18100] =	vst v63  }
0x149: {  	v3 =	vadd.s32 v1, v3  }
0x14a: {  	[hbm4b:s4+s2] =	stream.indirect_vreg.scatter [tilespmem:s26], [sflag:$0x6], $0x80, v4, vm0, $0xb8;
	[tilespmem:$0x18100] =	vst v63  }
0x14b: {  	_ = 	snop  }
0x14c: {  	[hbm4b:s5+s2] =	stream.indirect_vreg.scatter [tilespmem:s28], [sflag:$0x6], $0x80, v4, vm0, $0xb8;
	[tilespmem:$0x18100] =	vst v63  }
0x14d: {  	_ = 	snop  }
0x14e: {  	[hbm4b:s3+s2] =	stream.indirect_vreg.scatter [tilespmem:s29], [sflag:$0x6], $0x80, v3, vm0, $0xb8;
	[tilespmem:$0x18100] =	vst v63  }
0x14f: {  	_ = 	snop  }
0x150: {  	[hbm4b:s4+s2] =	stream.indirect_vreg.scatter [tilespmem:s30], [sflag:$0x6], $0x80, v3, vm0, $0xb8;
	[tilespmem:$0x18100] =	vst v63  }
0x151: {  	s29 =	simm.s32 $0x3  }
0x152: {  	[hbm4b:s5+s2] =	stream.indirect_vreg.scatter [tilespmem:s31], [sflag:$0x6], $0x80, v3, vm0, $0xb8;
	[tilespmem:$0x18100] =	vst v63  }
0x153: {  	_ =	swait.ge [sflag:s29], $0xC000  }
0x154: {  	[sflag:s29] =	ssyncset.done $0x0  }
0x155: {  	s30 =	simm.s32 $0x5;
	[sflag:s29] =	ssyncadd.s32 $0xFFFF4000  }
0x156: {  	_ =	swait.ge [sflag:s30], $0xC000  }
0x157: {  	[sflag:s30] =	ssyncset.done $0x0  }
0x158: {  	s31 =	simm.s32 $0x4;
	[sflag:s30] =	ssyncadd.s32 $0xFFFF4000  }
0x159: {  	p0 =	sne.s32 s6, $0x1;
	_ =	swait.ge [sflag:s31], $0xC000  }
.Ltmp0:
0x15a: {  	[sflag:s31] =	ssyncset.done $0x0;
	(pc) =	sbr.rel @p0 .LBB2_1-.Ltmp0, $4  }
0x15b: {  	[sflag:s31] =	ssyncadd.s32 $0xFFFF4000  }
0x15c: {  	_ =	swait.ge [sflag:s15], $0xC000  }
0x15d: {  	[sflag:s15] =	ssyncset.done $0x0  }
0x15e: {  	s6 =	sadd.s32 $0xFFFFFFFF, s6;
	[sflag:s15] =	ssyncadd.s32 $0xFFFF4000  }
0x15f: {  	_ =	sfence.sel $0x180000  }
0x160: {  	[bflag:$0x0] =	sbarrier.arrive $0xFFFF  }
0x161: {  	_ =	strace $0x90000047  }
0x162: {  	s0 =	stileid.u32;
	[bflag:$0x2] =	sbarrier.arrive $0xFFFF  }
0x163: {  	p0 =	sne.s32 s0, $0x0;
	s0 =	rddreg [dreg:$0x3]  }
0x164: {  	s0 =	sadd.s32 @!p0 $0x100000, s0  }
0x165: {  	[sflag:s0] =	ssyncadd.tile.s32 @!p0 $0x1;
	_ =	shalt  }
.Lfunc_end2:
_tile_overlayer_lowered:
.L_overlay_start_2:
0x166: {  	(tag) =	ssettag $0x2  }
0x167: {  	s0 =	rddreg [dreg:$0x0];
	s2 =	stileid.u32  }
0x168: {  	s1 =	rddreg [dreg:$0x1];
	p0 =	sne.s32 s2, $0x0  }
0x169: {  	s3 =	rddreg [dreg:$0x2];
	[bflag:$0x3] =	sbarrier.arrive $0xFFFF;
	s2 =	simm.s32 @!p0 $0x1C07  }
0x16a: {  	[timem:s3], [sflag:s2] =	dma.local @!p0 [hbm:s0], s1  }
0x16b: {  	s0 =	simm.s32 @!p0 $0x7  }
0x16c: {  	_ =	swait.ge @!p0 [sflag:s0], s1  }
0x16d: {  	s1 =	ssub.s32 @!p0 $0x0, s1;
	[sflag:s0] =	ssyncset.done @!p0 $0x0  }
0x16e: {  	[sflag:s0] =	ssyncadd.s32 @!p0 s1  }
0x16f: {  	[bflag:$0x3] =	sbarrier.arrive $0xFFFF  }
0x170: {  	_ =	shalt  }

</sc_bundles>
